<compile_context>
chip_gen: v7x
topology: tpu7x:2x2x1
jax: 0.10.2.dev20260603
libtpu: 0.0.44.dev20260713+nightly
codegen_flags: <defaults>
</compile_context>

<pallas_src>
import functools

import jax
import jax.numpy as jnp
from jax import lax
from jax.experimental import pallas as pl
from jax.experimental.pallas import tpu as pltpu
from jax.experimental.pallas import tpu_sc as plsc

N = 10000
E = 320000
D_IN = 128
D_OUT = 128
NC = 2
NS = 16
NW = NC * NS
EPT = E // NW
B = 104
K = EPT // B
TB = EPT - K * B
G = K // 2
ZR = 640


def _matmul_body(x_ref, w_ref, b_ref, o_ref):
    o_ref[...] = lax.dot_general(
        x_ref[...], w_ref[...], (((1,), (1,)), ((), ())),
        preferred_element_type=jnp.float32) + b_ref[...]


def _linear(x, W, b):
    m_blk = 2000
    return pl.pallas_call(
        _matmul_body,
        grid=(N // m_blk,),
        in_specs=[
            pl.BlockSpec((m_blk, D_IN), lambda i: (i, 0)),
            pl.BlockSpec((D_OUT, D_IN), lambda i: (0, 0)),
            pl.BlockSpec((1, D_OUT), lambda i: (0, 0)),
        ],
        out_specs=pl.BlockSpec((m_blk, D_OUT), lambda i: (i, 0)),
        out_shape=jax.ShapeDtypeStruct((N, D_OUT), jnp.float32),
    )(x, W, b.reshape(1, D_OUT))


def _add_body(a_ref, b_ref, o_ref):
    o_ref[...] = a_ref[0] + b_ref[0]


def _sum_partials(parts):
    m_blk = 2000
    return pl.pallas_call(
        _add_body,
        grid=(N // m_blk,),
        in_specs=[
            pl.BlockSpec((1, m_blk, D_OUT), lambda i: (0, i, 0)),
            pl.BlockSpec((1, m_blk, D_OUT), lambda i: (1, i, 0)),
        ],
        out_specs=pl.BlockSpec((m_blk, D_OUT), lambda i: (i, 0)),
        out_shape=jax.ShapeDtypeStruct((N, D_OUT), jnp.float32),
    )(parts, parts)


def _make_scatter():
    mesh = plsc.VectorSubcoreMesh(
        core_axis_name="c", subcore_axis_name="s",
        num_cores=NC, num_subcores=NS)

    @functools.partial(
        pl.kernel,
        out_type=jax.ShapeDtypeStruct((NC, N, D_OUT), jnp.float32),
        mesh=mesh,
        scratch_types=[
            pltpu.VMEM((EPT,), jnp.int32),
            pltpu.VMEM((EPT,), jnp.int32),
            pltpu.VMEM((2, B, D_OUT), jnp.float32),
            pltpu.VMEM((2, TB), jnp.int32),
            pltpu.VMEM_SHARED((N, D_OUT), jnp.float32),
            pltpu.SemaphoreType.DMA((2,)),
            pltpu.SemaphoreType.DMA((2,)),
            pltpu.SemaphoreType.DMA,
        ],
    )
    def scatter(h, srcs, dsts, etail, zeros, out, src_v, dst_v, rows_v,
                tidx_v, acc, g_sem, s_sem, t_sem):
        c = lax.axis_index("c")
        s = lax.axis_index("s")
        w = c * NS + s

        @pl.when(s < NS - 1)
        def _():
            pltpu.sync_copy(zeros.at[pl.ds(0, ZR)],
                            acc.at[pl.ds(s * ZR, ZR)])

        @pl.when(s == NS - 1)
        def _():
            pltpu.sync_copy(zeros.at[pl.ds(0, N - (NS - 1) * ZR)],
                            acc.at[pl.ds((NS - 1) * ZR, N - (NS - 1) * ZR)])

        pltpu.sync_copy(srcs.at[w], src_v)
        pltpu.sync_copy(dsts.at[w], dst_v)
        pltpu.async_copy(etail.at[w], tidx_v, t_sem)
        pltpu.make_async_copy(etail.at[w], tidx_v, t_sem).wait()

        def gather_start(j, b):
            pltpu.async_copy(h.at[src_v.at[pl.ds(j * B, B)]], rows_v.at[b],
                             g_sem.at[b])

        def gather_wait(j, b):
            pltpu.make_async_copy(h.at[src_v.at[pl.ds(j * B, B)]],
                                  rows_v.at[b], g_sem.at[b]).wait()

        def scat_start(j, b):
            pltpu.async_copy(rows_v.at[b], acc.at[dst_v.at[pl.ds(j * B, B)]],
                             s_sem.at[b], add=True)

        def scat_wait(j, b):
            pltpu.make_async_copy(rows_v.at[b],
                                  acc.at[dst_v.at[pl.ds(j * B, B)]],
                                  s_sem.at[b]).wait()

        gather_start(0, 0)
        gather_wait(0, 0)
        scat_start(0, 0)
        gather_start(1, 1)
        gather_wait(1, 1)
        scat_start(1, 1)
        scat_wait(0, 0)
        gather_start(2, 0)

        def pair(g, carry):
            j0 = 2 * g
            j1 = j0 + 1
            gather_wait(j0, 0)
            scat_start(j0, 0)
            scat_wait(j1 - 2, 1)
            gather_start(j1, 1)
            gather_wait(j1, 1)
            scat_start(j1, 1)
            scat_wait(j0, 0)
            gather_start(j0 + 2, 0)
            return carry

        lax.fori_loop(1, G - 1, pair, 0)

        j0 = 2 * (G - 1)
        j1 = j0 + 1
        gather_wait(j0, 0)
        scat_start(j0, 0)
        scat_wait(j1 - 2, 1)
        gather_start(j1, 1)
        gather_wait(j1, 1)
        scat_start(j1, 1)
        scat_wait(j0, 0)

        pltpu.async_copy(h.at[tidx_v.at[0]], rows_v.at[0, pl.ds(0, TB)],
                         t_sem)
        pltpu.make_async_copy(h.at[tidx_v.at[0]], rows_v.at[0, pl.ds(0, TB)],
                              t_sem).wait()
        pltpu.sync_copy(rows_v.at[0, pl.ds(0, TB)], acc.at[tidx_v.at[1]],
                        add=True)

        scat_wait(j1, 1)
        plsc.subcore_barrier()

        @pl.when(s < NS - 1)
        def _():
            pltpu.sync_copy(acc.at[pl.ds(s * ZR, ZR)],
                            out.at[c, pl.ds(s * ZR, ZR)])

        @pl.when(s == NS - 1)
        def _():
            pltpu.sync_copy(acc.at[pl.ds((NS - 1) * ZR, N - (NS - 1) * ZR)],
                            out.at[c, pl.ds((NS - 1) * ZR, N - (NS - 1) * ZR)])

    return scatter


_scatter = _make_scatter()


def kernel(graph, x, W, b):
    h = _linear(x, W, b)
    srcs = graph[0].reshape(NW, EPT)
    dsts = graph[1].reshape(NW, EPT)
    etail = jnp.stack([srcs[:, K * B:], dsts[:, K * B:]], axis=1)
    zeros = jnp.zeros((ZR, D_OUT), jnp.float32)
    parts = _scatter(h, srcs, dsts, etail, zeros)
    return _sum_partials(parts)

# --- scband reference (transcript-rebuilt; emitter-appended) ---
"""Pipeline reference for scband-gcnconv-41790031790243 (READ-ONLY COPY).

The authoritative reference and input builder live on the scoring server;
editing this copy changes nothing except your own understanding.
"""

import jax, jax.numpy as jnp
import numpy as np

N = 10000
E = 320000
D_IN = 128
D_OUT = 128


def setup_inputs(seed: int = 0) -> dict:
    key = jax.random.key(seed)
    k1, k2, k3, k4 = jax.random.split(key, 4)
    graph = jax.random.randint(k1, (2, E), 0, N, dtype=jnp.int32)
    x = jax.random.normal(k2, (N, D_IN), dtype=jnp.float32)
    # nn.Linear(in_feats, out_feats): weight [out, in], bias [out]
    W = jax.random.normal(k3, (D_OUT, D_IN), dtype=jnp.float32) * (1.0 / np.sqrt(D_IN))
    b = jax.random.normal(k4, (D_OUT,), dtype=jnp.float32) * 0.01
    return {"graph": graph, "x": x, "W": W, "b": b}


def reference(graph, x, W, b):
    # h = self.weight(x)
    h = x @ W.T + b
    # h = spmm(graph, h): out[dst] += h[src] over all edges (adjacency SpMM)
    src = graph[0]
    dst = graph[1]
    messages = jnp.take(h, src, axis=0)
    out = jax.ops.segment_sum(messages, dst, num_segments=N)
    return out

if __name__ == "__main__":
    import jax
    _d = setup_inputs()
    print(jax.jit(kernel)(*tuple(_d.values())))

</pallas_src>

<mosaic_0001>
#map = affine_map<(d0, d1) -> (0, 0)>
#map1 = affine_map<(d0, d1) -> (0, 0, 0)>
module attributes {stable_mosaic.version = 14 : i64} {
  func.func @scatter(%arg0: i32, %arg1: i32, %arg2: memref<10000x128xf32, #tpu.memory_space<hbm>>, %arg3: memref<32x10000xi32, #tpu.memory_space<hbm>>, %arg4: memref<32x10000xi32, #tpu.memory_space<hbm>>, %arg5: memref<32x2x16xi32, #tpu.memory_space<hbm>>, %arg6: memref<640x128xf32, #tpu.memory_space<hbm>>, %arg7: memref<2x10000x128xf32, #tpu.memory_space<hbm>>, %arg8: memref<10000xi32, #tpu.memory_space<vmem>>, %arg9: memref<10000xi32, #tpu.memory_space<vmem>>, %arg10: memref<2x104x128xf32, #tpu.memory_space<vmem>>, %arg11: memref<2x16xi32, #tpu.memory_space<vmem>>, %arg12: memref<10000x128xf32, #tpu.memory_space<vmem_shared>>, %arg13: memref<2x!tpu.dma_semaphore, #tpu.memory_space<semaphore_mem>>, %arg14: memref<2x!tpu.dma_semaphore, #tpu.memory_space<semaphore_mem>>, %arg15: memref<!tpu.dma_semaphore, #tpu.memory_space<semaphore_mem>>) attributes {dimension_semantics = [#tpu.dimension_semantics<core_parallel>, #tpu.dimension_semantics<subcore_parallel>], iteration_bounds = array<i64: 2, 16>, scalar_prefetch = 0 : i64, scratch_operands = 8 : i64, tpu.core_type = #tpu.core_type<sc_vector_subcore>, window_params = [{transform_indices = #map}, {transform_indices = #map}, {transform_indices = #map}, {transform_indices = #map1}, {transform_indices = #map}, {transform_indices = #map1}]} {
    %mul3A = arith.constant 16 : i32
    %mul3A_0 = arith.muli %arg0, %mul3A : i32
    %add3A = arith.addi %mul3A_0, %arg1 : i32
    %lt3A = arith.constant 15 : i32
    %lt3A_1 = arith.cmpi slt, %arg1, %lt3A : i32
    %convert_element_type3A = arith.extui %lt3A_1 : i1 to i32
    %cond3A = arith.constant 0 : i32
    %cond3A_2 = arith.cmpi ne, %convert_element_type3A, %cond3A : i32
    scf.if %cond3A_2 {
      %mul3A_269 = arith.constant 640 : i32
      %mul3A_270 = arith.muli %arg1, %mul3A_269 : i32
      "tpu.region"() ({
        %run_scoped3A_271 = tpu.sem_alloc : memref<!tpu.dma_semaphore, #tpu.memory_space<semaphore_mem>>
        %dma_start3A_272 = arith.constant 0 : i32
        %dma_start3A_273 = tpu.memref_slice %arg12[%mul3A_270, %dma_start3A_272] : memref<10000x128xf32, #tpu.memory_space<vmem_shared>> -> memref<640x128xf32, #tpu.memory_space<vmem_shared>>
        %dma_start3A_274 = arith.constant 0 : i32
        %dma_start3A_275 = arith.constant 0 : i32
        %dma_start3A_276 = tpu.memref_slice %arg6[%dma_start3A_274, %dma_start3A_275] : memref<640x128xf32, #tpu.memory_space<hbm>> -> memref<640x128xf32, #tpu.memory_space<hbm>>
        tpu.enqueue_dma source(%dma_start3A_276 : memref<640x128xf32, #tpu.memory_space<hbm>>) target(%dma_start3A_273 : memref<640x128xf32, #tpu.memory_space<vmem_shared>>) target_semaphore(%run_scoped3A_271 : memref<!tpu.dma_semaphore, #tpu.memory_space<semaphore_mem>>)
        %dma_wait3A_277 = arith.constant 0 : i32
        %dma_wait3A_278 = tpu.memref_slice %arg12[%mul3A_270, %dma_wait3A_277] : memref<10000x128xf32, #tpu.memory_space<vmem_shared>> -> memref<640x128xf32, #tpu.memory_space<vmem_shared>>
        %dma_wait3A_279 = arith.constant 0 : i32
        %dma_wait3A_280 = arith.constant 0 : i32
        %dma_wait3A_281 = tpu.memref_slice %arg6[%dma_wait3A_279, %dma_wait3A_280] : memref<640x128xf32, #tpu.memory_space<hbm>> -> memref<640x128xf32, #tpu.memory_space<hbm>>
        tpu.wait_dma2 semaphore(%run_scoped3A_271 : memref<!tpu.dma_semaphore, #tpu.memory_space<semaphore_mem>>) src(%dma_wait3A_281 : memref<640x128xf32, #tpu.memory_space<hbm>>) dst(%dma_wait3A_278 : memref<640x128xf32, #tpu.memory_space<vmem_shared>>)
        tpu.yield
      }) : () -> ()
    } else {
    }
    %eq3A = arith.constant 15 : i32
    %eq3A_3 = arith.cmpi eq, %arg1, %eq3A : i32
    %convert_element_type3A_4 = arith.extui %eq3A_3 : i1 to i32
    %cond3A_5 = arith.constant 0 : i32
    %cond3A_6 = arith.cmpi ne, %convert_element_type3A_4, %cond3A_5 : i32
    scf.if %cond3A_6 {
      "tpu.region"() ({
        %run_scoped3A_269 = tpu.sem_alloc : memref<!tpu.dma_semaphore, #tpu.memory_space<semaphore_mem>>
        %dma_start3A_270 = arith.constant 9600 : i32
        %dma_start3A_271 = arith.constant 0 : i32
        %dma_start3A_272 = tpu.memref_slice %arg12[%dma_start3A_270, %dma_start3A_271] : memref<10000x128xf32, #tpu.memory_space<vmem_shared>> -> memref<400x128xf32, #tpu.memory_space<vmem_shared>>
        %dma_start3A_273 = arith.constant 0 : i32
        %dma_start3A_274 = arith.constant 0 : i32
        %dma_start3A_275 = tpu.memref_slice %arg6[%dma_start3A_273, %dma_start3A_274] : memref<640x128xf32, #tpu.memory_space<hbm>> -> memref<400x128xf32, #tpu.memory_space<hbm>>
        tpu.enqueue_dma source(%dma_start3A_275 : memref<400x128xf32, #tpu.memory_space<hbm>>) target(%dma_start3A_272 : memref<400x128xf32, #tpu.memory_space<vmem_shared>>) target_semaphore(%run_scoped3A_269 : memref<!tpu.dma_semaphore, #tpu.memory_space<semaphore_mem>>)
        %dma_wait3A_276 = arith.constant 9600 : i32
        %dma_wait3A_277 = arith.constant 0 : i32
        %dma_wait3A_278 = tpu.memref_slice %arg12[%dma_wait3A_276, %dma_wait3A_277] : memref<10000x128xf32, #tpu.memory_space<vmem_shared>> -> memref<400x128xf32, #tpu.memory_space<vmem_shared>>
        %dma_wait3A_279 = arith.constant 0 : i32
        %dma_wait3A_280 = arith.constant 0 : i32
        %dma_wait3A_281 = tpu.memref_slice %arg6[%dma_wait3A_279, %dma_wait3A_280] : memref<640x128xf32, #tpu.memory_space<hbm>> -> memref<400x128xf32, #tpu.memory_space<hbm>>
        tpu.wait_dma2 semaphore(%run_scoped3A_269 : memref<!tpu.dma_semaphore, #tpu.memory_space<semaphore_mem>>) src(%dma_wait3A_281 : memref<400x128xf32, #tpu.memory_space<hbm>>) dst(%dma_wait3A_278 : memref<400x128xf32, #tpu.memory_space<vmem_shared>>)
        tpu.yield
      }) : () -> ()
    } else {
    }
    "tpu.region"() ({
      %run_scoped3A_269 = tpu.sem_alloc : memref<!tpu.dma_semaphore, #tpu.memory_space<semaphore_mem>>
      %dma_start3A_270 = arith.constant 0 : i32
      %dma_start3A_271 = tpu.memref_slice %arg3[%add3A, %dma_start3A_270] : memref<32x10000xi32, #tpu.memory_space<hbm>> -> memref<1x10000xi32, #tpu.memory_space<hbm>>
      %dma_start3A_272 = tpu.memref_squeeze %dma_start3A_271 : memref<1x10000xi32, #tpu.memory_space<hbm>> -> memref<10000xi32, #tpu.memory_space<hbm>>
      %dma_start3A_273 = arith.constant 0 : i32
      %dma_start3A_274 = tpu.memref_slice %arg3[%add3A, %dma_start3A_273] : memref<32x10000xi32, #tpu.memory_space<hbm>> -> memref<1x10000xi32, #tpu.memory_space<hbm>>
      %dma_start3A_275 = tpu.memref_squeeze %dma_start3A_274 : memref<1x10000xi32, #tpu.memory_space<hbm>> -> memref<10000xi32, #tpu.memory_space<hbm>>
      tpu.enqueue_dma source(%dma_start3A_275 : memref<10000xi32, #tpu.memory_space<hbm>>) target(%arg8 : memref<10000xi32, #tpu.memory_space<vmem>>) target_semaphore(%run_scoped3A_269 : memref<!tpu.dma_semaphore, #tpu.memory_space<semaphore_mem>>)
      %dma_wait3A_276 = arith.constant 0 : i32
      %dma_wait3A_277 = tpu.memref_slice %arg3[%add3A, %dma_wait3A_276] : memref<32x10000xi32, #tpu.memory_space<hbm>> -> memref<1x10000xi32, #tpu.memory_space<hbm>>
      %dma_wait3A_278 = tpu.memref_squeeze %dma_wait3A_277 : memref<1x10000xi32, #tpu.memory_space<hbm>> -> memref<10000xi32, #tpu.memory_space<hbm>>
      %dma_wait3A_279 = arith.constant 0 : i32
      %dma_wait3A_280 = tpu.memref_slice %arg3[%add3A, %dma_wait3A_279] : memref<32x10000xi32, #tpu.memory_space<hbm>> -> memref<1x10000xi32, #tpu.memory_space<hbm>>
      %dma_wait3A_281 = tpu.memref_squeeze %dma_wait3A_280 : memref<1x10000xi32, #tpu.memory_space<hbm>> -> memref<10000xi32, #tpu.memory_space<hbm>>
      tpu.wait_dma2 semaphore(%run_scoped3A_269 : memref<!tpu.dma_semaphore, #tpu.memory_space<semaphore_mem>>) src(%dma_wait3A_281 : memref<10000xi32, #tpu.memory_space<hbm>>) dst(%arg8 : memref<10000xi32, #tpu.memory_space<vmem>>)
      tpu.yield
    }) : () -> ()
    "tpu.region"() ({
      %run_scoped3A_269 = tpu.sem_alloc : memref<!tpu.dma_semaphore, #tpu.memory_space<semaphore_mem>>
      %dma_start3A_270 = arith.constant 0 : i32
      %dma_start3A_271 = tpu.memref_slice %arg4[%add3A, %dma_start3A_270] : memref<32x10000xi32, #tpu.memory_space<hbm>> -> memref<1x10000xi32, #tpu.memory_space<hbm>>
      %dma_start3A_272 = tpu.memref_squeeze %dma_start3A_271 : memref<1x10000xi32, #tpu.memory_space<hbm>> -> memref<10000xi32, #tpu.memory_space<hbm>>
      %dma_start3A_273 = arith.constant 0 : i32
      %dma_start3A_274 = tpu.memref_slice %arg4[%add3A, %dma_start3A_273] : memref<32x10000xi32, #tpu.memory_space<hbm>> -> memref<1x10000xi32, #tpu.memory_space<hbm>>
      %dma_start3A_275 = tpu.memref_squeeze %dma_start3A_274 : memref<1x10000xi32, #tpu.memory_space<hbm>> -> memref<10000xi32, #tpu.memory_space<hbm>>
      tpu.enqueue_dma source(%dma_start3A_275 : memref<10000xi32, #tpu.memory_space<hbm>>) target(%arg9 : memref<10000xi32, #tpu.memory_space<vmem>>) target_semaphore(%run_scoped3A_269 : memref<!tpu.dma_semaphore, #tpu.memory_space<semaphore_mem>>)
      %dma_wait3A_276 = arith.constant 0 : i32
      %dma_wait3A_277 = tpu.memref_slice %arg4[%add3A, %dma_wait3A_276] : memref<32x10000xi32, #tpu.memory_space<hbm>> -> memref<1x10000xi32, #tpu.memory_space<hbm>>
      %dma_wait3A_278 = tpu.memref_squeeze %dma_wait3A_277 : memref<1x10000xi32, #tpu.memory_space<hbm>> -> memref<10000xi32, #tpu.memory_space<hbm>>
      %dma_wait3A_279 = arith.constant 0 : i32
      %dma_wait3A_280 = tpu.memref_slice %arg4[%add3A, %dma_wait3A_279] : memref<32x10000xi32, #tpu.memory_space<hbm>> -> memref<1x10000xi32, #tpu.memory_space<hbm>>
      %dma_wait3A_281 = tpu.memref_squeeze %dma_wait3A_280 : memref<1x10000xi32, #tpu.memory_space<hbm>> -> memref<10000xi32, #tpu.memory_space<hbm>>
      tpu.wait_dma2 semaphore(%run_scoped3A_269 : memref<!tpu.dma_semaphore, #tpu.memory_space<semaphore_mem>>) src(%dma_wait3A_281 : memref<10000xi32, #tpu.memory_space<hbm>>) dst(%arg9 : memref<10000xi32, #tpu.memory_space<vmem>>)
      tpu.yield
    }) : () -> ()
    %dma_start3A = arith.constant 0 : i32
    %dma_start3A_7 = arith.constant 0 : i32
    %dma_start3A_8 = tpu.memref_slice %arg5[%add3A, %dma_start3A, %dma_start3A_7] : memref<32x2x16xi32, #tpu.memory_space<hbm>> -> memref<1x2x16xi32, #tpu.memory_space<hbm>>
    %dma_start3A_9 = tpu.memref_squeeze %dma_start3A_8 : memref<1x2x16xi32, #tpu.memory_space<hbm>> -> memref<2x16xi32, #tpu.memory_space<hbm>>
    %dma_start3A_10 = arith.constant 0 : i32
    %dma_start3A_11 = arith.constant 0 : i32
    %dma_start3A_12 = tpu.memref_slice %arg5[%add3A, %dma_start3A_10, %dma_start3A_11] : memref<32x2x16xi32, #tpu.memory_space<hbm>> -> memref<1x2x16xi32, #tpu.memory_space<hbm>>
    %dma_start3A_13 = tpu.memref_squeeze %dma_start3A_12 : memref<1x2x16xi32, #tpu.memory_space<hbm>> -> memref<2x16xi32, #tpu.memory_space<hbm>>
    tpu.enqueue_dma source(%dma_start3A_13 : memref<2x16xi32, #tpu.memory_space<hbm>>) target(%arg11 : memref<2x16xi32, #tpu.memory_space<vmem>>) target_semaphore(%arg15 : memref<!tpu.dma_semaphore, #tpu.memory_space<semaphore_mem>>)
    %dma_wait3A = arith.constant 0 : i32
    %dma_wait3A_14 = arith.constant 0 : i32
    %dma_wait3A_15 = tpu.memref_slice %arg5[%add3A, %dma_wait3A, %dma_wait3A_14] : memref<32x2x16xi32, #tpu.memory_space<hbm>> -> memref<1x2x16xi32, #tpu.memory_space<hbm>>
    %dma_wait3A_16 = tpu.memref_squeeze %dma_wait3A_15 : memref<1x2x16xi32, #tpu.memory_space<hbm>> -> memref<2x16xi32, #tpu.memory_space<hbm>>
    %dma_wait3A_17 = arith.constant 0 : i32
    %dma_wait3A_18 = arith.constant 0 : i32
    %dma_wait3A_19 = tpu.memref_slice %arg5[%add3A, %dma_wait3A_17, %dma_wait3A_18] : memref<32x2x16xi32, #tpu.memory_space<hbm>> -> memref<1x2x16xi32, #tpu.memory_space<hbm>>
    %dma_wait3A_20 = tpu.memref_squeeze %dma_wait3A_19 : memref<1x2x16xi32, #tpu.memory_space<hbm>> -> memref<2x16xi32, #tpu.memory_space<hbm>>
    tpu.wait_dma2 semaphore(%arg15 : memref<!tpu.dma_semaphore, #tpu.memory_space<semaphore_mem>>) src(%dma_wait3A_20 : memref<2x16xi32, #tpu.memory_space<hbm>>) dst(%arg11 : memref<2x16xi32, #tpu.memory_space<vmem>>)
    %dma_start3A_21 = arith.constant 0 : i32
    %dma_start3A_22 = arith.constant 0 : i32
    %dma_start3A_23 = arith.constant 0 : i32
    %dma_start3A_24 = arith.constant 0 : i32
    %dma_start3A_25 = tpu.memref_slice %arg10[%dma_start3A_21, %dma_start3A_23, %dma_start3A_24] : memref<2x104x128xf32, #tpu.memory_space<vmem>> -> memref<1x104x128xf32, #tpu.memory_space<vmem>>
    %dma_start3A_26 = tpu.memref_squeeze %dma_start3A_25 : memref<1x104x128xf32, #tpu.memory_space<vmem>> -> memref<104x128xf32, #tpu.memory_space<vmem>>
    %dma_start3A_27 = arith.constant 0 : i32
    %dma_start3A_28 = tpu.memref_slice %arg8[%dma_start3A_27] : memref<10000xi32, #tpu.memory_space<vmem>> -> memref<104xi32, #tpu.memory_space<vmem>>
    %dma_start3A_29 = arith.constant 0 : i32
    %dma_start3A_30 = arith.constant 0 : i32
    %dma_start3A_31 = tpu.memref_slice %arg2[%dma_start3A_29, %dma_start3A_30] : memref<10000x128xf32, #tpu.memory_space<hbm>> -> memref<10000x128xf32, #tpu.memory_space<hbm>>
    %dma_start3A_32 = tpu.memref_slice %arg13[%dma_start3A_22] : memref<2x!tpu.dma_semaphore, #tpu.memory_space<semaphore_mem>> -> memref<1x!tpu.dma_semaphore, #tpu.memory_space<semaphore_mem>>
    %dma_start3A_33 = tpu.memref_squeeze %dma_start3A_32 : memref<1x!tpu.dma_semaphore, #tpu.memory_space<semaphore_mem>> -> memref<!tpu.dma_semaphore, #tpu.memory_space<semaphore_mem>>
    tpu.enqueue_indirect_dma source(%dma_start3A_31 : memref<10000x128xf32, #tpu.memory_space<hbm>>) target(%dma_start3A_26 : memref<104x128xf32, #tpu.memory_space<vmem>>) offsets(%dma_start3A_28 : memref<104xi32, #tpu.memory_space<vmem>>) semaphore(%dma_start3A_33 : memref<!tpu.dma_semaphore, #tpu.memory_space<semaphore_mem>>)
    %dma_wait3A_34 = arith.constant 0 : i32
    %dma_wait3A_35 = arith.constant 0 : i32
    %dma_wait3A_36 = arith.constant 0 : i32
    %dma_wait3A_37 = arith.constant 0 : i32
    %dma_wait3A_38 = tpu.memref_slice %arg10[%dma_wait3A_34, %dma_wait3A_36, %dma_wait3A_37] : memref<2x104x128xf32, #tpu.memory_space<vmem>> -> memref<1x104x128xf32, #tpu.memory_space<vmem>>
    %dma_wait3A_39 = tpu.memref_squeeze %dma_wait3A_38 : memref<1x104x128xf32, #tpu.memory_space<vmem>> -> memref<104x128xf32, #tpu.memory_space<vmem>>
    %dma_wait3A_40 = arith.constant 0 : i32
    %dma_wait3A_41 = tpu.memref_slice %arg8[%dma_wait3A_40] : memref<10000xi32, #tpu.memory_space<vmem>> -> memref<104xi32, #tpu.memory_space<vmem>>
    %dma_wait3A_42 = arith.constant 0 : i32
    %dma_wait3A_43 = arith.constant 0 : i32
    %dma_wait3A_44 = tpu.memref_slice %arg2[%dma_wait3A_42, %dma_wait3A_43] : memref<10000x128xf32, #tpu.memory_space<hbm>> -> memref<10000x128xf32, #tpu.memory_space<hbm>>
    %dma_wait3A_45 = tpu.memref_slice %arg13[%dma_wait3A_35] : memref<2x!tpu.dma_semaphore, #tpu.memory_space<semaphore_mem>> -> memref<1x!tpu.dma_semaphore, #tpu.memory_space<semaphore_mem>>
    %dma_wait3A_46 = tpu.memref_squeeze %dma_wait3A_45 : memref<1x!tpu.dma_semaphore, #tpu.memory_space<semaphore_mem>> -> memref<!tpu.dma_semaphore, #tpu.memory_space<semaphore_mem>>
    tpu.wait_indirect_dma semaphore(%dma_wait3A_46 : memref<!tpu.dma_semaphore, #tpu.memory_space<semaphore_mem>>) src(%dma_wait3A_44 : memref<10000x128xf32, #tpu.memory_space<hbm>>) dst(%dma_wait3A_39 : memref<104x128xf32, #tpu.memory_space<vmem>>)
    %dma_start3A_47 = arith.constant 0 : i32
    %dma_start3A_48 = arith.constant 0 : i32
    %dma_start3A_49 = arith.constant 0 : i32
    %dma_start3A_50 = arith.constant 0 : i32
    %dma_start3A_51 = tpu.memref_slice %arg10[%dma_start3A_47, %dma_start3A_49, %dma_start3A_50] : memref<2x104x128xf32, #tpu.memory_space<vmem>> -> memref<1x104x128xf32, #tpu.memory_space<vmem>>
    %dma_start3A_52 = tpu.memref_squeeze %dma_start3A_51 : memref<1x104x128xf32, #tpu.memory_space<vmem>> -> memref<104x128xf32, #tpu.memory_space<vmem>>
    %dma_start3A_53 = arith.constant 0 : i32
    %dma_start3A_54 = tpu.memref_slice %arg9[%dma_start3A_53] : memref<10000xi32, #tpu.memory_space<vmem>> -> memref<104xi32, #tpu.memory_space<vmem>>
    %dma_start3A_55 = arith.constant 0 : i32
    %dma_start3A_56 = arith.constant 0 : i32
    %dma_start3A_57 = tpu.memref_slice %arg12[%dma_start3A_55, %dma_start3A_56] : memref<10000x128xf32, #tpu.memory_space<vmem_shared>> -> memref<10000x128xf32, #tpu.memory_space<vmem_shared>>
    %dma_start3A_58 = tpu.memref_slice %arg14[%dma_start3A_48] : memref<2x!tpu.dma_semaphore, #tpu.memory_space<semaphore_mem>> -> memref<1x!tpu.dma_semaphore, #tpu.memory_space<semaphore_mem>>
    %dma_start3A_59 = tpu.memref_squeeze %dma_start3A_58 : memref<1x!tpu.dma_semaphore, #tpu.memory_space<semaphore_mem>> -> memref<!tpu.dma_semaphore, #tpu.memory_space<semaphore_mem>>
    tpu.enqueue_indirect_dma source(%dma_start3A_52 : memref<104x128xf32, #tpu.memory_space<vmem>>) target(%dma_start3A_57 : memref<10000x128xf32, #tpu.memory_space<vmem_shared>>) offsets(%dma_start3A_54 : memref<104xi32, #tpu.memory_space<vmem>>) semaphore(%dma_start3A_59 : memref<!tpu.dma_semaphore, #tpu.memory_space<semaphore_mem>>) {add = true}
    %dma_start3A_60 = arith.constant 1 : i32
    %dma_start3A_61 = arith.constant 1 : i32
    %dma_start3A_62 = arith.constant 0 : i32
    %dma_start3A_63 = arith.constant 0 : i32
    %dma_start3A_64 = tpu.memref_slice %arg10[%dma_start3A_60, %dma_start3A_62, %dma_start3A_63] : memref<2x104x128xf32, #tpu.memory_space<vmem>> -> memref<1x104x128xf32, #tpu.memory_space<vmem>>
    %dma_start3A_65 = tpu.memref_squeeze %dma_start3A_64 : memref<1x104x128xf32, #tpu.memory_space<vmem>> -> memref<104x128xf32, #tpu.memory_space<vmem>>
    %dma_start3A_66 = arith.constant 104 : i32
    %dma_start3A_67 = tpu.memref_slice %arg8[%dma_start3A_66] : memref<10000xi32, #tpu.memory_space<vmem>> -> memref<104xi32, #tpu.memory_space<vmem>>
    %dma_start3A_68 = arith.constant 0 : i32
    %dma_start3A_69 = arith.constant 0 : i32
    %dma_start3A_70 = tpu.memref_slice %arg2[%dma_start3A_68, %dma_start3A_69] : memref<10000x128xf32, #tpu.memory_space<hbm>> -> memref<10000x128xf32, #tpu.memory_space<hbm>>
    %dma_start3A_71 = tpu.memref_slice %arg13[%dma_start3A_61] : memref<2x!tpu.dma_semaphore, #tpu.memory_space<semaphore_mem>> -> memref<1x!tpu.dma_semaphore, #tpu.memory_space<semaphore_mem>>
    %dma_start3A_72 = tpu.memref_squeeze %dma_start3A_71 : memref<1x!tpu.dma_semaphore, #tpu.memory_space<semaphore_mem>> -> memref<!tpu.dma_semaphore, #tpu.memory_space<semaphore_mem>>
    tpu.enqueue_indirect_dma source(%dma_start3A_70 : memref<10000x128xf32, #tpu.memory_space<hbm>>) target(%dma_start3A_65 : memref<104x128xf32, #tpu.memory_space<vmem>>) offsets(%dma_start3A_67 : memref<104xi32, #tpu.memory_space<vmem>>) semaphore(%dma_start3A_72 : memref<!tpu.dma_semaphore, #tpu.memory_space<semaphore_mem>>)
    %dma_wait3A_73 = arith.constant 1 : i32
    %dma_wait3A_74 = arith.constant 1 : i32
    %dma_wait3A_75 = arith.constant 0 : i32
    %dma_wait3A_76 = arith.constant 0 : i32
    %dma_wait3A_77 = tpu.memref_slice %arg10[%dma_wait3A_73, %dma_wait3A_75, %dma_wait3A_76] : memref<2x104x128xf32, #tpu.memory_space<vmem>> -> memref<1x104x128xf32, #tpu.memory_space<vmem>>
    %dma_wait3A_78 = tpu.memref_squeeze %dma_wait3A_77 : memref<1x104x128xf32, #tpu.memory_space<vmem>> -> memref<104x128xf32, #tpu.memory_space<vmem>>
    %dma_wait3A_79 = arith.constant 104 : i32
    %dma_wait3A_80 = tpu.memref_slice %arg8[%dma_wait3A_79] : memref<10000xi32, #tpu.memory_space<vmem>> -> memref<104xi32, #tpu.memory_space<vmem>>
    %dma_wait3A_81 = arith.constant 0 : i32
    %dma_wait3A_82 = arith.constant 0 : i32
    %dma_wait3A_83 = tpu.memref_slice %arg2[%dma_wait3A_81, %dma_wait3A_82] : memref<10000x128xf32, #tpu.memory_space<hbm>> -> memref<10000x128xf32, #tpu.memory_space<hbm>>
    %dma_wait3A_84 = tpu.memref_slice %arg13[%dma_wait3A_74] : memref<2x!tpu.dma_semaphore, #tpu.memory_space<semaphore_mem>> -> memref<1x!tpu.dma_semaphore, #tpu.memory_space<semaphore_mem>>
    %dma_wait3A_85 = tpu.memref_squeeze %dma_wait3A_84 : memref<1x!tpu.dma_semaphore, #tpu.memory_space<semaphore_mem>> -> memref<!tpu.dma_semaphore, #tpu.memory_space<semaphore_mem>>
    tpu.wait_indirect_dma semaphore(%dma_wait3A_85 : memref<!tpu.dma_semaphore, #tpu.memory_space<semaphore_mem>>) src(%dma_wait3A_83 : memref<10000x128xf32, #tpu.memory_space<hbm>>) dst(%dma_wait3A_78 : memref<104x128xf32, #tpu.memory_space<vmem>>)
    %dma_start3A_86 = arith.constant 1 : i32
    %dma_start3A_87 = arith.constant 1 : i32
    %dma_start3A_88 = arith.constant 0 : i32
    %dma_start3A_89 = arith.constant 0 : i32
    %dma_start3A_90 = tpu.memref_slice %arg10[%dma_start3A_86, %dma_start3A_88, %dma_start3A_89] : memref<2x104x128xf32, #tpu.memory_space<vmem>> -> memref<1x104x128xf32, #tpu.memory_space<vmem>>
    %dma_start3A_91 = tpu.memref_squeeze %dma_start3A_90 : memref<1x104x128xf32, #tpu.memory_space<vmem>> -> memref<104x128xf32, #tpu.memory_space<vmem>>
    %dma_start3A_92 = arith.constant 104 : i32
    %dma_start3A_93 = tpu.memref_slice %arg9[%dma_start3A_92] : memref<10000xi32, #tpu.memory_space<vmem>> -> memref<104xi32, #tpu.memory_space<vmem>>
    %dma_start3A_94 = arith.constant 0 : i32
    %dma_start3A_95 = arith.constant 0 : i32
    %dma_start3A_96 = tpu.memref_slice %arg12[%dma_start3A_94, %dma_start3A_95] : memref<10000x128xf32, #tpu.memory_space<vmem_shared>> -> memref<10000x128xf32, #tpu.memory_space<vmem_shared>>
    %dma_start3A_97 = tpu.memref_slice %arg14[%dma_start3A_87] : memref<2x!tpu.dma_semaphore, #tpu.memory_space<semaphore_mem>> -> memref<1x!tpu.dma_semaphore, #tpu.memory_space<semaphore_mem>>
    %dma_start3A_98 = tpu.memref_squeeze %dma_start3A_97 : memref<1x!tpu.dma_semaphore, #tpu.memory_space<semaphore_mem>> -> memref<!tpu.dma_semaphore, #tpu.memory_space<semaphore_mem>>
    tpu.enqueue_indirect_dma source(%dma_start3A_91 : memref<104x128xf32, #tpu.memory_space<vmem>>) target(%dma_start3A_96 : memref<10000x128xf32, #tpu.memory_space<vmem_shared>>) offsets(%dma_start3A_93 : memref<104xi32, #tpu.memory_space<vmem>>) semaphore(%dma_start3A_98 : memref<!tpu.dma_semaphore, #tpu.memory_space<semaphore_mem>>) {add = true}
    %dma_wait3A_99 = arith.constant 0 : i32
    %dma_wait3A_100 = arith.constant 0 : i32
    %dma_wait3A_101 = arith.constant 0 : i32
    %dma_wait3A_102 = arith.constant 0 : i32
    %dma_wait3A_103 = tpu.memref_slice %arg10[%dma_wait3A_99, %dma_wait3A_101, %dma_wait3A_102] : memref<2x104x128xf32, #tpu.memory_space<vmem>> -> memref<1x104x128xf32, #tpu.memory_space<vmem>>
    %dma_wait3A_104 = tpu.memref_squeeze %dma_wait3A_103 : memref<1x104x128xf32, #tpu.memory_space<vmem>> -> memref<104x128xf32, #tpu.memory_space<vmem>>
    %dma_wait3A_105 = arith.constant 0 : i32
    %dma_wait3A_106 = tpu.memref_slice %arg9[%dma_wait3A_105] : memref<10000xi32, #tpu.memory_space<vmem>> -> memref<104xi32, #tpu.memory_space<vmem>>
    %dma_wait3A_107 = arith.constant 0 : i32
    %dma_wait3A_108 = arith.constant 0 : i32
    %dma_wait3A_109 = tpu.memref_slice %arg12[%dma_wait3A_107, %dma_wait3A_108] : memref<10000x128xf32, #tpu.memory_space<vmem_shared>> -> memref<10000x128xf32, #tpu.memory_space<vmem_shared>>
    %dma_wait3A_110 = tpu.memref_slice %arg14[%dma_wait3A_100] : memref<2x!tpu.dma_semaphore, #tpu.memory_space<semaphore_mem>> -> memref<1x!tpu.dma_semaphore, #tpu.memory_space<semaphore_mem>>
    %dma_wait3A_111 = tpu.memref_squeeze %dma_wait3A_110 : memref<1x!tpu.dma_semaphore, #tpu.memory_space<semaphore_mem>> -> memref<!tpu.dma_semaphore, #tpu.memory_space<semaphore_mem>>
    tpu.wait_indirect_dma semaphore(%dma_wait3A_111 : memref<!tpu.dma_semaphore, #tpu.memory_space<semaphore_mem>>) src(%dma_wait3A_104 : memref<104x128xf32, #tpu.memory_space<vmem>>) dst(%dma_wait3A_109 : memref<10000x128xf32, #tpu.memory_space<vmem_shared>>)
    %dma_start3A_112 = arith.constant 0 : i32
    %dma_start3A_113 = arith.constant 0 : i32
    %dma_start3A_114 = arith.constant 0 : i32
    %dma_start3A_115 = arith.constant 0 : i32
    %dma_start3A_116 = tpu.memref_slice %arg10[%dma_start3A_112, %dma_start3A_114, %dma_start3A_115] : memref<2x104x128xf32, #tpu.memory_space<vmem>> -> memref<1x104x128xf32, #tpu.memory_space<vmem>>
    %dma_start3A_117 = tpu.memref_squeeze %dma_start3A_116 : memref<1x104x128xf32, #tpu.memory_space<vmem>> -> memref<104x128xf32, #tpu.memory_space<vmem>>
    %dma_start3A_118 = arith.constant 208 : i32
    %dma_start3A_119 = tpu.memref_slice %arg8[%dma_start3A_118] : memref<10000xi32, #tpu.memory_space<vmem>> -> memref<104xi32, #tpu.memory_space<vmem>>
    %dma_start3A_120 = arith.constant 0 : i32
    %dma_start3A_121 = arith.constant 0 : i32
    %dma_start3A_122 = tpu.memref_slice %arg2[%dma_start3A_120, %dma_start3A_121] : memref<10000x128xf32, #tpu.memory_space<hbm>> -> memref<10000x128xf32, #tpu.memory_space<hbm>>
    %dma_start3A_123 = tpu.memref_slice %arg13[%dma_start3A_113] : memref<2x!tpu.dma_semaphore, #tpu.memory_space<semaphore_mem>> -> memref<1x!tpu.dma_semaphore, #tpu.memory_space<semaphore_mem>>
    %dma_start3A_124 = tpu.memref_squeeze %dma_start3A_123 : memref<1x!tpu.dma_semaphore, #tpu.memory_space<semaphore_mem>> -> memref<!tpu.dma_semaphore, #tpu.memory_space<semaphore_mem>>
    tpu.enqueue_indirect_dma source(%dma_start3A_122 : memref<10000x128xf32, #tpu.memory_space<hbm>>) target(%dma_start3A_117 : memref<104x128xf32, #tpu.memory_space<vmem>>) offsets(%dma_start3A_119 : memref<104xi32, #tpu.memory_space<vmem>>) semaphore(%dma_start3A_124 : memref<!tpu.dma_semaphore, #tpu.memory_space<semaphore_mem>>)
    %scan3A = arith.constant 0 : i32
    %scan3A_125 = arith.constant 1 : i32
    %scan3A_126 = arith.constant 46 : i32
    %scan3A_127 = arith.addi %scan3A_125, %scan3A_126 : i32
    %scan3A_128 = arith.constant 1 : i32
    scf.for %scan3A_269 = %scan3A_125 to %scan3A_127 step %scan3A_128  : i32 {
      %mul3A_270 = arith.constant 2 : i32
      %mul3A_271 = arith.muli %mul3A_270, %scan3A_269 : i32
      %add3A_272 = arith.constant 1 : i32
      %add3A_273 = arith.addi %mul3A_271, %add3A_272 : i32
      %mul3A_274 = arith.constant 104 : i32
      %mul3A_275 = arith.muli %mul3A_271, %mul3A_274 : i32
      %dma_wait3A_276 = arith.constant 0 : i32
      %dma_wait3A_277 = arith.constant 0 : i32
      %dma_wait3A_278 = arith.constant 0 : i32
      %dma_wait3A_279 = arith.constant 0 : i32
      %dma_wait3A_280 = tpu.memref_slice %arg10[%dma_wait3A_276, %dma_wait3A_278, %dma_wait3A_279] : memref<2x104x128xf32, #tpu.memory_space<vmem>> -> memref<1x104x128xf32, #tpu.memory_space<vmem>>
      %dma_wait3A_281 = tpu.memref_squeeze %dma_wait3A_280 : memref<1x104x128xf32, #tpu.memory_space<vmem>> -> memref<104x128xf32, #tpu.memory_space<vmem>>
      %dma_wait3A_282 = tpu.memref_slice %arg8[%mul3A_275] : memref<10000xi32, #tpu.memory_space<vmem>> -> memref<104xi32, #tpu.memory_space<vmem>>
      %dma_wait3A_283 = arith.constant 0 : i32
      %dma_wait3A_284 = arith.constant 0 : i32
      %dma_wait3A_285 = tpu.memref_slice %arg2[%dma_wait3A_283, %dma_wait3A_284] : memref<10000x128xf32, #tpu.memory_space<hbm>> -> memref<10000x128xf32, #tpu.memory_space<hbm>>
      %dma_wait3A_286 = tpu.memref_slice %arg13[%dma_wait3A_277] : memref<2x!tpu.dma_semaphore, #tpu.memory_space<semaphore_mem>> -> memref<1x!tpu.dma_semaphore, #tpu.memory_space<semaphore_mem>>
      %dma_wait3A_287 = tpu.memref_squeeze %dma_wait3A_286 : memref<1x!tpu.dma_semaphore, #tpu.memory_space<semaphore_mem>> -> memref<!tpu.dma_semaphore, #tpu.memory_space<semaphore_mem>>
      tpu.wait_indirect_dma semaphore(%dma_wait3A_287 : memref<!tpu.dma_semaphore, #tpu.memory_space<semaphore_mem>>) src(%dma_wait3A_285 : memref<10000x128xf32, #tpu.memory_space<hbm>>) dst(%dma_wait3A_281 : memref<104x128xf32, #tpu.memory_space<vmem>>)
      %mul3A_288 = arith.constant 104 : i32
      %mul3A_289 = arith.muli %mul3A_271, %mul3A_288 : i32
      %dma_start3A_290 = arith.constant 0 : i32
      %dma_start3A_291 = arith.constant 0 : i32
      %dma_start3A_292 = arith.constant 0 : i32
      %dma_start3A_293 = arith.constant 0 : i32
      %dma_start3A_294 = tpu.memref_slice %arg10[%dma_start3A_290, %dma_start3A_292, %dma_start3A_293] : memref<2x104x128xf32, #tpu.memory_space<vmem>> -> memref<1x104x128xf32, #tpu.memory_space<vmem>>
      %dma_start3A_295 = tpu.memref_squeeze %dma_start3A_294 : memref<1x104x128xf32, #tpu.memory_space<vmem>> -> memref<104x128xf32, #tpu.memory_space<vmem>>
      %dma_start3A_296 = tpu.memref_slice %arg9[%mul3A_289] : memref<10000xi32, #tpu.memory_space<vmem>> -> memref<104xi32, #tpu.memory_space<vmem>>
      %dma_start3A_297 = arith.constant 0 : i32
      %dma_start3A_298 = arith.constant 0 : i32
      %dma_start3A_299 = tpu.memref_slice %arg12[%dma_start3A_297, %dma_start3A_298] : memref<10000x128xf32, #tpu.memory_space<vmem_shared>> -> memref<10000x128xf32, #tpu.memory_space<vmem_shared>>
      %dma_start3A_300 = tpu.memref_slice %arg14[%dma_start3A_291] : memref<2x!tpu.dma_semaphore, #tpu.memory_space<semaphore_mem>> -> memref<1x!tpu.dma_semaphore, #tpu.memory_space<semaphore_mem>>
      %dma_start3A_301 = tpu.memref_squeeze %dma_start3A_300 : memref<1x!tpu.dma_semaphore, #tpu.memory_space<semaphore_mem>> -> memref<!tpu.dma_semaphore, #tpu.memory_space<semaphore_mem>>
      tpu.enqueue_indirect_dma source(%dma_start3A_295 : memref<104x128xf32, #tpu.memory_space<vmem>>) target(%dma_start3A_299 : memref<10000x128xf32, #tpu.memory_space<vmem_shared>>) offsets(%dma_start3A_296 : memref<104xi32, #tpu.memory_space<vmem>>) semaphore(%dma_start3A_301 : memref<!tpu.dma_semaphore, #tpu.memory_space<semaphore_mem>>) {add = true}
      %sub3A = arith.constant 2 : i32
      %sub3A_302 = arith.subi %add3A_273, %sub3A : i32
      %mul3A_303 = arith.constant 104 : i32
      %mul3A_304 = arith.muli %sub3A_302, %mul3A_303 : i32
      %dma_wait3A_305 = arith.constant 1 : i32
      %dma_wait3A_306 = arith.constant 1 : i32
      %dma_wait3A_307 = arith.constant 0 : i32
      %dma_wait3A_308 = arith.constant 0 : i32
      %dma_wait3A_309 = tpu.memref_slice %arg10[%dma_wait3A_305, %dma_wait3A_307, %dma_wait3A_308] : memref<2x104x128xf32, #tpu.memory_space<vmem>> -> memref<1x104x128xf32, #tpu.memory_space<vmem>>
      %dma_wait3A_310 = tpu.memref_squeeze %dma_wait3A_309 : memref<1x104x128xf32, #tpu.memory_space<vmem>> -> memref<104x128xf32, #tpu.memory_space<vmem>>
      %dma_wait3A_311 = tpu.memref_slice %arg9[%mul3A_304] : memref<10000xi32, #tpu.memory_space<vmem>> -> memref<104xi32, #tpu.memory_space<vmem>>
      %dma_wait3A_312 = arith.constant 0 : i32
      %dma_wait3A_313 = arith.constant 0 : i32
      %dma_wait3A_314 = tpu.memref_slice %arg12[%dma_wait3A_312, %dma_wait3A_313] : memref<10000x128xf32, #tpu.memory_space<vmem_shared>> -> memref<10000x128xf32, #tpu.memory_space<vmem_shared>>
      %dma_wait3A_315 = tpu.memref_slice %arg14[%dma_wait3A_306] : memref<2x!tpu.dma_semaphore, #tpu.memory_space<semaphore_mem>> -> memref<1x!tpu.dma_semaphore, #tpu.memory_space<semaphore_mem>>
      %dma_wait3A_316 = tpu.memref_squeeze %dma_wait3A_315 : memref<1x!tpu.dma_semaphore, #tpu.memory_space<semaphore_mem>> -> memref<!tpu.dma_semaphore, #tpu.memory_space<semaphore_mem>>
      tpu.wait_indirect_dma semaphore(%dma_wait3A_316 : memref<!tpu.dma_semaphore, #tpu.memory_space<semaphore_mem>>) src(%dma_wait3A_310 : memref<104x128xf32, #tpu.memory_space<vmem>>) dst(%dma_wait3A_314 : memref<10000x128xf32, #tpu.memory_space<vmem_shared>>)
      %mul3A_317 = arith.constant 104 : i32
      %mul3A_318 = arith.muli %add3A_273, %mul3A_317 : i32
      %dma_start3A_319 = arith.constant 1 : i32
      %dma_start3A_320 = arith.constant 1 : i32
      %dma_start3A_321 = arith.constant 0 : i32
      %dma_start3A_322 = arith.constant 0 : i32
      %dma_start3A_323 = tpu.memref_slice %arg10[%dma_start3A_319, %dma_start3A_321, %dma_start3A_322] : memref<2x104x128xf32, #tpu.memory_space<vmem>> -> memref<1x104x128xf32, #tpu.memory_space<vmem>>
      %dma_start3A_324 = tpu.memref_squeeze %dma_start3A_323 : memref<1x104x128xf32, #tpu.memory_space<vmem>> -> memref<104x128xf32, #tpu.memory_space<vmem>>
      %dma_start3A_325 = tpu.memref_slice %arg8[%mul3A_318] : memref<10000xi32, #tpu.memory_space<vmem>> -> memref<104xi32, #tpu.memory_space<vmem>>
      %dma_start3A_326 = arith.constant 0 : i32
      %dma_start3A_327 = arith.constant 0 : i32
      %dma_start3A_328 = tpu.memref_slice %arg2[%dma_start3A_326, %dma_start3A_327] : memref<10000x128xf32, #tpu.memory_space<hbm>> -> memref<10000x128xf32, #tpu.memory_space<hbm>>
      %dma_start3A_329 = tpu.memref_slice %arg13[%dma_start3A_320] : memref<2x!tpu.dma_semaphore, #tpu.memory_space<semaphore_mem>> -> memref<1x!tpu.dma_semaphore, #tpu.memory_space<semaphore_mem>>
      %dma_start3A_330 = tpu.memref_squeeze %dma_start3A_329 : memref<1x!tpu.dma_semaphore, #tpu.memory_space<semaphore_mem>> -> memref<!tpu.dma_semaphore, #tpu.memory_space<semaphore_mem>>
      tpu.enqueue_indirect_dma source(%dma_start3A_328 : memref<10000x128xf32, #tpu.memory_space<hbm>>) target(%dma_start3A_324 : memref<104x128xf32, #tpu.memory_space<vmem>>) offsets(%dma_start3A_325 : memref<104xi32, #tpu.memory_space<vmem>>) semaphore(%dma_start3A_330 : memref<!tpu.dma_semaphore, #tpu.memory_space<semaphore_mem>>)
      %mul3A_331 = arith.constant 104 : i32
      %mul3A_332 = arith.muli %add3A_273, %mul3A_331 : i32
      %dma_wait3A_333 = arith.constant 1 : i32
      %dma_wait3A_334 = arith.constant 1 : i32
      %dma_wait3A_335 = arith.constant 0 : i32
      %dma_wait3A_336 = arith.constant 0 : i32
      %dma_wait3A_337 = tpu.memref_slice %arg10[%dma_wait3A_333, %dma_wait3A_335, %dma_wait3A_336] : memref<2x104x128xf32, #tpu.memory_space<vmem>> -> memref<1x104x128xf32, #tpu.memory_space<vmem>>
      %dma_wait3A_338 = tpu.memref_squeeze %dma_wait3A_337 : memref<1x104x128xf32, #tpu.memory_space<vmem>> -> memref<104x128xf32, #tpu.memory_space<vmem>>
      %dma_wait3A_339 = tpu.memref_slice %arg8[%mul3A_332] : memref<10000xi32, #tpu.memory_space<vmem>> -> memref<104xi32, #tpu.memory_space<vmem>>
      %dma_wait3A_340 = arith.constant 0 : i32
      %dma_wait3A_341 = arith.constant 0 : i32
      %dma_wait3A_342 = tpu.memref_slice %arg2[%dma_wait3A_340, %dma_wait3A_341] : memref<10000x128xf32, #tpu.memory_space<hbm>> -> memref<10000x128xf32, #tpu.memory_space<hbm>>
      %dma_wait3A_343 = tpu.memref_slice %arg13[%dma_wait3A_334] : memref<2x!tpu.dma_semaphore, #tpu.memory_space<semaphore_mem>> -> memref<1x!tpu.dma_semaphore, #tpu.memory_space<semaphore_mem>>
      %dma_wait3A_344 = tpu.memref_squeeze %dma_wait3A_343 : memref<1x!tpu.dma_semaphore, #tpu.memory_space<semaphore_mem>> -> memref<!tpu.dma_semaphore, #tpu.memory_space<semaphore_mem>>
      tpu.wait_indirect_dma semaphore(%dma_wait3A_344 : memref<!tpu.dma_semaphore, #tpu.memory_space<semaphore_mem>>) src(%dma_wait3A_342 : memref<10000x128xf32, #tpu.memory_space<hbm>>) dst(%dma_wait3A_338 : memref<104x128xf32, #tpu.memory_space<vmem>>)
      %mul3A_345 = arith.constant 104 : i32
      %mul3A_346 = arith.muli %add3A_273, %mul3A_345 : i32
      %dma_start3A_347 = arith.constant 1 : i32
      %dma_start3A_348 = arith.constant 1 : i32
      %dma_start3A_349 = arith.constant 0 : i32
      %dma_start3A_350 = arith.constant 0 : i32
      %dma_start3A_351 = tpu.memref_slice %arg10[%dma_start3A_347, %dma_start3A_349, %dma_start3A_350] : memref<2x104x128xf32, #tpu.memory_space<vmem>> -> memref<1x104x128xf32, #tpu.memory_space<vmem>>
      %dma_start3A_352 = tpu.memref_squeeze %dma_start3A_351 : memref<1x104x128xf32, #tpu.memory_space<vmem>> -> memref<104x128xf32, #tpu.memory_space<vmem>>
      %dma_start3A_353 = tpu.memref_slice %arg9[%mul3A_346] : memref<10000xi32, #tpu.memory_space<vmem>> -> memref<104xi32, #tpu.memory_space<vmem>>
      %dma_start3A_354 = arith.constant 0 : i32
      %dma_start3A_355 = arith.constant 0 : i32
      %dma_start3A_356 = tpu.memref_slice %arg12[%dma_start3A_354, %dma_start3A_355] : memref<10000x128xf32, #tpu.memory_space<vmem_shared>> -> memref<10000x128xf32, #tpu.memory_space<vmem_shared>>
      %dma_start3A_357 = tpu.memref_slice %arg14[%dma_start3A_348] : memref<2x!tpu.dma_semaphore, #tpu.memory_space<semaphore_mem>> -> memref<1x!tpu.dma_semaphore, #tpu.memory_space<semaphore_mem>>
      %dma_start3A_358 = tpu.memref_squeeze %dma_start3A_357 : memref<1x!tpu.dma_semaphore, #tpu.memory_space<semaphore_mem>> -> memref<!tpu.dma_semaphore, #tpu.memory_space<semaphore_mem>>
      tpu.enqueue_indirect_dma source(%dma_start3A_352 : memref<104x128xf32, #tpu.memory_space<vmem>>) target(%dma_start3A_356 : memref<10000x128xf32, #tpu.memory_space<vmem_shared>>) offsets(%dma_start3A_353 : memref<104xi32, #tpu.memory_space<vmem>>) semaphore(%dma_start3A_358 : memref<!tpu.dma_semaphore, #tpu.memory_space<semaphore_mem>>) {add = true}
      %mul3A_359 = arith.constant 104 : i32
      %mul3A_360 = arith.muli %mul3A_271, %mul3A_359 : i32
      %dma_wait3A_361 = arith.constant 0 : i32
      %dma_wait3A_362 = arith.constant 0 : i32
      %dma_wait3A_363 = arith.constant 0 : i32
      %dma_wait3A_364 = arith.constant 0 : i32
      %dma_wait3A_365 = tpu.memref_slice %arg10[%dma_wait3A_361, %dma_wait3A_363, %dma_wait3A_364] : memref<2x104x128xf32, #tpu.memory_space<vmem>> -> memref<1x104x128xf32, #tpu.memory_space<vmem>>
      %dma_wait3A_366 = tpu.memref_squeeze %dma_wait3A_365 : memref<1x104x128xf32, #tpu.memory_space<vmem>> -> memref<104x128xf32, #tpu.memory_space<vmem>>
      %dma_wait3A_367 = tpu.memref_slice %arg9[%mul3A_360] : memref<10000xi32, #tpu.memory_space<vmem>> -> memref<104xi32, #tpu.memory_space<vmem>>
      %dma_wait3A_368 = arith.constant 0 : i32
      %dma_wait3A_369 = arith.constant 0 : i32
      %dma_wait3A_370 = tpu.memref_slice %arg12[%dma_wait3A_368, %dma_wait3A_369] : memref<10000x128xf32, #tpu.memory_space<vmem_shared>> -> memref<10000x128xf32, #tpu.memory_space<vmem_shared>>
      %dma_wait3A_371 = tpu.memref_slice %arg14[%dma_wait3A_362] : memref<2x!tpu.dma_semaphore, #tpu.memory_space<semaphore_mem>> -> memref<1x!tpu.dma_semaphore, #tpu.memory_space<semaphore_mem>>
      %dma_wait3A_372 = tpu.memref_squeeze %dma_wait3A_371 : memref<1x!tpu.dma_semaphore, #tpu.memory_space<semaphore_mem>> -> memref<!tpu.dma_semaphore, #tpu.memory_space<semaphore_mem>>
      tpu.wait_indirect_dma semaphore(%dma_wait3A_372 : memref<!tpu.dma_semaphore, #tpu.memory_space<semaphore_mem>>) src(%dma_wait3A_366 : memref<104x128xf32, #tpu.memory_space<vmem>>) dst(%dma_wait3A_370 : memref<10000x128xf32, #tpu.memory_space<vmem_shared>>)
      %add3A_373 = arith.constant 2 : i32
      %add3A_374 = arith.addi %mul3A_271, %add3A_373 : i32
      %mul3A_375 = arith.constant 104 : i32
      %mul3A_376 = arith.muli %add3A_374, %mul3A_375 : i32
      %dma_start3A_377 = arith.constant 0 : i32
      %dma_start3A_378 = arith.constant 0 : i32
      %dma_start3A_379 = arith.constant 0 : i32
      %dma_start3A_380 = arith.constant 0 : i32
      %dma_start3A_381 = tpu.memref_slice %arg10[%dma_start3A_377, %dma_start3A_379, %dma_start3A_380] : memref<2x104x128xf32, #tpu.memory_space<vmem>> -> memref<1x104x128xf32, #tpu.memory_space<vmem>>
      %dma_start3A_382 = tpu.memref_squeeze %dma_start3A_381 : memref<1x104x128xf32, #tpu.memory_space<vmem>> -> memref<104x128xf32, #tpu.memory_space<vmem>>
      %dma_start3A_383 = tpu.memref_slice %arg8[%mul3A_376] : memref<10000xi32, #tpu.memory_space<vmem>> -> memref<104xi32, #tpu.memory_space<vmem>>
      %dma_start3A_384 = arith.constant 0 : i32
      %dma_start3A_385 = arith.constant 0 : i32
      %dma_start3A_386 = tpu.memref_slice %arg2[%dma_start3A_384, %dma_start3A_385] : memref<10000x128xf32, #tpu.memory_space<hbm>> -> memref<10000x128xf32, #tpu.memory_space<hbm>>
      %dma_start3A_387 = tpu.memref_slice %arg13[%dma_start3A_378] : memref<2x!tpu.dma_semaphore, #tpu.memory_space<semaphore_mem>> -> memref<1x!tpu.dma_semaphore, #tpu.memory_space<semaphore_mem>>
      %dma_start3A_388 = tpu.memref_squeeze %dma_start3A_387 : memref<1x!tpu.dma_semaphore, #tpu.memory_space<semaphore_mem>> -> memref<!tpu.dma_semaphore, #tpu.memory_space<semaphore_mem>>
      tpu.enqueue_indirect_dma source(%dma_start3A_386 : memref<10000x128xf32, #tpu.memory_space<hbm>>) target(%dma_start3A_382 : memref<104x128xf32, #tpu.memory_space<vmem>>) offsets(%dma_start3A_383 : memref<104xi32, #tpu.memory_space<vmem>>) semaphore(%dma_start3A_388 : memref<!tpu.dma_semaphore, #tpu.memory_space<semaphore_mem>>)
    }
    %scan3A_129 = arith.constant 46 : i32
    %dma_wait3A_130 = arith.constant 0 : i32
    %dma_wait3A_131 = arith.constant 0 : i32
    %dma_wait3A_132 = arith.constant 0 : i32
    %dma_wait3A_133 = arith.constant 0 : i32
    %dma_wait3A_134 = tpu.memref_slice %arg10[%dma_wait3A_130, %dma_wait3A_132, %dma_wait3A_133] : memref<2x104x128xf32, #tpu.memory_space<vmem>> -> memref<1x104x128xf32, #tpu.memory_space<vmem>>
    %dma_wait3A_135 = tpu.memref_squeeze %dma_wait3A_134 : memref<1x104x128xf32, #tpu.memory_space<vmem>> -> memref<104x128xf32, #tpu.memory_space<vmem>>
    %dma_wait3A_136 = arith.constant 9776 : i32
    %dma_wait3A_137 = tpu.memref_slice %arg8[%dma_wait3A_136] : memref<10000xi32, #tpu.memory_space<vmem>> -> memref<104xi32, #tpu.memory_space<vmem>>
    %dma_wait3A_138 = arith.constant 0 : i32
    %dma_wait3A_139 = arith.constant 0 : i32
    %dma_wait3A_140 = tpu.memref_slice %arg2[%dma_wait3A_138, %dma_wait3A_139] : memref<10000x128xf32, #tpu.memory_space<hbm>> -> memref<10000x128xf32, #tpu.memory_space<hbm>>
    %dma_wait3A_141 = tpu.memref_slice %arg13[%dma_wait3A_131] : memref<2x!tpu.dma_semaphore, #tpu.memory_space<semaphore_mem>> -> memref<1x!tpu.dma_semaphore, #tpu.memory_space<semaphore_mem>>
    %dma_wait3A_142 = tpu.memref_squeeze %dma_wait3A_141 : memref<1x!tpu.dma_semaphore, #tpu.memory_space<semaphore_mem>> -> memref<!tpu.dma_semaphore, #tpu.memory_space<semaphore_mem>>
    tpu.wait_indirect_dma semaphore(%dma_wait3A_142 : memref<!tpu.dma_semaphore, #tpu.memory_space<semaphore_mem>>) src(%dma_wait3A_140 : memref<10000x128xf32, #tpu.memory_space<hbm>>) dst(%dma_wait3A_135 : memref<104x128xf32, #tpu.memory_space<vmem>>)
    %dma_start3A_143 = arith.constant 0 : i32
    %dma_start3A_144 = arith.constant 0 : i32
    %dma_start3A_145 = arith.constant 0 : i32
    %dma_start3A_146 = arith.constant 0 : i32
    %dma_start3A_147 = tpu.memref_slice %arg10[%dma_start3A_143, %dma_start3A_145, %dma_start3A_146] : memref<2x104x128xf32, #tpu.memory_space<vmem>> -> memref<1x104x128xf32, #tpu.memory_space<vmem>>
    %dma_start3A_148 = tpu.memref_squeeze %dma_start3A_147 : memref<1x104x128xf32, #tpu.memory_space<vmem>> -> memref<104x128xf32, #tpu.memory_space<vmem>>
    %dma_start3A_149 = arith.constant 9776 : i32
    %dma_start3A_150 = tpu.memref_slice %arg9[%dma_start3A_149] : memref<10000xi32, #tpu.memory_space<vmem>> -> memref<104xi32, #tpu.memory_space<vmem>>
    %dma_start3A_151 = arith.constant 0 : i32
    %dma_start3A_152 = arith.constant 0 : i32
    %dma_start3A_153 = tpu.memref_slice %arg12[%dma_start3A_151, %dma_start3A_152] : memref<10000x128xf32, #tpu.memory_space<vmem_shared>> -> memref<10000x128xf32, #tpu.memory_space<vmem_shared>>
    %dma_start3A_154 = tpu.memref_slice %arg14[%dma_start3A_144] : memref<2x!tpu.dma_semaphore, #tpu.memory_space<semaphore_mem>> -> memref<1x!tpu.dma_semaphore, #tpu.memory_space<semaphore_mem>>
    %dma_start3A_155 = tpu.memref_squeeze %dma_start3A_154 : memref<1x!tpu.dma_semaphore, #tpu.memory_space<semaphore_mem>> -> memref<!tpu.dma_semaphore, #tpu.memory_space<semaphore_mem>>
    tpu.enqueue_indirect_dma source(%dma_start3A_148 : memref<104x128xf32, #tpu.memory_space<vmem>>) target(%dma_start3A_153 : memref<10000x128xf32, #tpu.memory_space<vmem_shared>>) offsets(%dma_start3A_150 : memref<104xi32, #tpu.memory_space<vmem>>) semaphore(%dma_start3A_155 : memref<!tpu.dma_semaphore, #tpu.memory_space<semaphore_mem>>) {add = true}
    %dma_wait3A_156 = arith.constant 1 : i32
    %dma_wait3A_157 = arith.constant 1 : i32
    %dma_wait3A_158 = arith.constant 0 : i32
    %dma_wait3A_159 = arith.constant 0 : i32
    %dma_wait3A_160 = tpu.memref_slice %arg10[%dma_wait3A_156, %dma_wait3A_158, %dma_wait3A_159] : memref<2x104x128xf32, #tpu.memory_space<vmem>> -> memref<1x104x128xf32, #tpu.memory_space<vmem>>
    %dma_wait3A_161 = tpu.memref_squeeze %dma_wait3A_160 : memref<1x104x128xf32, #tpu.memory_space<vmem>> -> memref<104x128xf32, #tpu.memory_space<vmem>>
    %dma_wait3A_162 = arith.constant 9672 : i32
    %dma_wait3A_163 = tpu.memref_slice %arg9[%dma_wait3A_162] : memref<10000xi32, #tpu.memory_space<vmem>> -> memref<104xi32, #tpu.memory_space<vmem>>
    %dma_wait3A_164 = arith.constant 0 : i32
    %dma_wait3A_165 = arith.constant 0 : i32
    %dma_wait3A_166 = tpu.memref_slice %arg12[%dma_wait3A_164, %dma_wait3A_165] : memref<10000x128xf32, #tpu.memory_space<vmem_shared>> -> memref<10000x128xf32, #tpu.memory_space<vmem_shared>>
    %dma_wait3A_167 = tpu.memref_slice %arg14[%dma_wait3A_157] : memref<2x!tpu.dma_semaphore, #tpu.memory_space<semaphore_mem>> -> memref<1x!tpu.dma_semaphore, #tpu.memory_space<semaphore_mem>>
    %dma_wait3A_168 = tpu.memref_squeeze %dma_wait3A_167 : memref<1x!tpu.dma_semaphore, #tpu.memory_space<semaphore_mem>> -> memref<!tpu.dma_semaphore, #tpu.memory_space<semaphore_mem>>
    tpu.wait_indirect_dma semaphore(%dma_wait3A_168 : memref<!tpu.dma_semaphore, #tpu.memory_space<semaphore_mem>>) src(%dma_wait3A_161 : memref<104x128xf32, #tpu.memory_space<vmem>>) dst(%dma_wait3A_166 : memref<10000x128xf32, #tpu.memory_space<vmem_shared>>)
    %dma_start3A_169 = arith.constant 1 : i32
    %dma_start3A_170 = arith.constant 1 : i32
    %dma_start3A_171 = arith.constant 0 : i32
    %dma_start3A_172 = arith.constant 0 : i32
    %dma_start3A_173 = tpu.memref_slice %arg10[%dma_start3A_169, %dma_start3A_171, %dma_start3A_172] : memref<2x104x128xf32, #tpu.memory_space<vmem>> -> memref<1x104x128xf32, #tpu.memory_space<vmem>>
    %dma_start3A_174 = tpu.memref_squeeze %dma_start3A_173 : memref<1x104x128xf32, #tpu.memory_space<vmem>> -> memref<104x128xf32, #tpu.memory_space<vmem>>
    %dma_start3A_175 = arith.constant 9880 : i32
    %dma_start3A_176 = tpu.memref_slice %arg8[%dma_start3A_175] : memref<10000xi32, #tpu.memory_space<vmem>> -> memref<104xi32, #tpu.memory_space<vmem>>
    %dma_start3A_177 = arith.constant 0 : i32
    %dma_start3A_178 = arith.constant 0 : i32
    %dma_start3A_179 = tpu.memref_slice %arg2[%dma_start3A_177, %dma_start3A_178] : memref<10000x128xf32, #tpu.memory_space<hbm>> -> memref<10000x128xf32, #tpu.memory_space<hbm>>
    %dma_start3A_180 = tpu.memref_slice %arg13[%dma_start3A_170] : memref<2x!tpu.dma_semaphore, #tpu.memory_space<semaphore_mem>> -> memref<1x!tpu.dma_semaphore, #tpu.memory_space<semaphore_mem>>
    %dma_start3A_181 = tpu.memref_squeeze %dma_start3A_180 : memref<1x!tpu.dma_semaphore, #tpu.memory_space<semaphore_mem>> -> memref<!tpu.dma_semaphore, #tpu.memory_space<semaphore_mem>>
    tpu.enqueue_indirect_dma source(%dma_start3A_179 : memref<10000x128xf32, #tpu.memory_space<hbm>>) target(%dma_start3A_174 : memref<104x128xf32, #tpu.memory_space<vmem>>) offsets(%dma_start3A_176 : memref<104xi32, #tpu.memory_space<vmem>>) semaphore(%dma_start3A_181 : memref<!tpu.dma_semaphore, #tpu.memory_space<semaphore_mem>>)
    %dma_wait3A_182 = arith.constant 1 : i32
    %dma_wait3A_183 = arith.constant 1 : i32
    %dma_wait3A_184 = arith.constant 0 : i32
    %dma_wait3A_185 = arith.constant 0 : i32
    %dma_wait3A_186 = tpu.memref_slice %arg10[%dma_wait3A_182, %dma_wait3A_184, %dma_wait3A_185] : memref<2x104x128xf32, #tpu.memory_space<vmem>> -> memref<1x104x128xf32, #tpu.memory_space<vmem>>
    %dma_wait3A_187 = tpu.memref_squeeze %dma_wait3A_186 : memref<1x104x128xf32, #tpu.memory_space<vmem>> -> memref<104x128xf32, #tpu.memory_space<vmem>>
    %dma_wait3A_188 = arith.constant 9880 : i32
    %dma_wait3A_189 = tpu.memref_slice %arg8[%dma_wait3A_188] : memref<10000xi32, #tpu.memory_space<vmem>> -> memref<104xi32, #tpu.memory_space<vmem>>
    %dma_wait3A_190 = arith.constant 0 : i32
    %dma_wait3A_191 = arith.constant 0 : i32
    %dma_wait3A_192 = tpu.memref_slice %arg2[%dma_wait3A_190, %dma_wait3A_191] : memref<10000x128xf32, #tpu.memory_space<hbm>> -> memref<10000x128xf32, #tpu.memory_space<hbm>>
    %dma_wait3A_193 = tpu.memref_slice %arg13[%dma_wait3A_183] : memref<2x!tpu.dma_semaphore, #tpu.memory_space<semaphore_mem>> -> memref<1x!tpu.dma_semaphore, #tpu.memory_space<semaphore_mem>>
    %dma_wait3A_194 = tpu.memref_squeeze %dma_wait3A_193 : memref<1x!tpu.dma_semaphore, #tpu.memory_space<semaphore_mem>> -> memref<!tpu.dma_semaphore, #tpu.memory_space<semaphore_mem>>
    tpu.wait_indirect_dma semaphore(%dma_wait3A_194 : memref<!tpu.dma_semaphore, #tpu.memory_space<semaphore_mem>>) src(%dma_wait3A_192 : memref<10000x128xf32, #tpu.memory_space<hbm>>) dst(%dma_wait3A_187 : memref<104x128xf32, #tpu.memory_space<vmem>>)
    %dma_start3A_195 = arith.constant 1 : i32
    %dma_start3A_196 = arith.constant 1 : i32
    %dma_start3A_197 = arith.constant 0 : i32
    %dma_start3A_198 = arith.constant 0 : i32
    %dma_start3A_199 = tpu.memref_slice %arg10[%dma_start3A_195, %dma_start3A_197, %dma_start3A_198] : memref<2x104x128xf32, #tpu.memory_space<vmem>> -> memref<1x104x128xf32, #tpu.memory_space<vmem>>
    %dma_start3A_200 = tpu.memref_squeeze %dma_start3A_199 : memref<1x104x128xf32, #tpu.memory_space<vmem>> -> memref<104x128xf32, #tpu.memory_space<vmem>>
    %dma_start3A_201 = arith.constant 9880 : i32
    %dma_start3A_202 = tpu.memref_slice %arg9[%dma_start3A_201] : memref<10000xi32, #tpu.memory_space<vmem>> -> memref<104xi32, #tpu.memory_space<vmem>>
    %dma_start3A_203 = arith.constant 0 : i32
    %dma_start3A_204 = arith.constant 0 : i32
    %dma_start3A_205 = tpu.memref_slice %arg12[%dma_start3A_203, %dma_start3A_204] : memref<10000x128xf32, #tpu.memory_space<vmem_shared>> -> memref<10000x128xf32, #tpu.memory_space<vmem_shared>>
    %dma_start3A_206 = tpu.memref_slice %arg14[%dma_start3A_196] : memref<2x!tpu.dma_semaphore, #tpu.memory_space<semaphore_mem>> -> memref<1x!tpu.dma_semaphore, #tpu.memory_space<semaphore_mem>>
    %dma_start3A_207 = tpu.memref_squeeze %dma_start3A_206 : memref<1x!tpu.dma_semaphore, #tpu.memory_space<semaphore_mem>> -> memref<!tpu.dma_semaphore, #tpu.memory_space<semaphore_mem>>
    tpu.enqueue_indirect_dma source(%dma_start3A_200 : memref<104x128xf32, #tpu.memory_space<vmem>>) target(%dma_start3A_205 : memref<10000x128xf32, #tpu.memory_space<vmem_shared>>) offsets(%dma_start3A_202 : memref<104xi32, #tpu.memory_space<vmem>>) semaphore(%dma_start3A_207 : memref<!tpu.dma_semaphore, #tpu.memory_space<semaphore_mem>>) {add = true}
    %dma_wait3A_208 = arith.constant 0 : i32
    %dma_wait3A_209 = arith.constant 0 : i32
    %dma_wait3A_210 = arith.constant 0 : i32
    %dma_wait3A_211 = arith.constant 0 : i32
    %dma_wait3A_212 = tpu.memref_slice %arg10[%dma_wait3A_208, %dma_wait3A_210, %dma_wait3A_211] : memref<2x104x128xf32, #tpu.memory_space<vmem>> -> memref<1x104x128xf32, #tpu.memory_space<vmem>>
    %dma_wait3A_213 = tpu.memref_squeeze %dma_wait3A_212 : memref<1x104x128xf32, #tpu.memory_space<vmem>> -> memref<104x128xf32, #tpu.memory_space<vmem>>
    %dma_wait3A_214 = arith.constant 9776 : i32
    %dma_wait3A_215 = tpu.memref_slice %arg9[%dma_wait3A_214] : memref<10000xi32, #tpu.memory_space<vmem>> -> memref<104xi32, #tpu.memory_space<vmem>>
    %dma_wait3A_216 = arith.constant 0 : i32
    %dma_wait3A_217 = arith.constant 0 : i32
    %dma_wait3A_218 = tpu.memref_slice %arg12[%dma_wait3A_216, %dma_wait3A_217] : memref<10000x128xf32, #tpu.memory_space<vmem_shared>> -> memref<10000x128xf32, #tpu.memory_space<vmem_shared>>
    %dma_wait3A_219 = tpu.memref_slice %arg14[%dma_wait3A_209] : memref<2x!tpu.dma_semaphore, #tpu.memory_space<semaphore_mem>> -> memref<1x!tpu.dma_semaphore, #tpu.memory_space<semaphore_mem>>
    %dma_wait3A_220 = tpu.memref_squeeze %dma_wait3A_219 : memref<1x!tpu.dma_semaphore, #tpu.memory_space<semaphore_mem>> -> memref<!tpu.dma_semaphore, #tpu.memory_space<semaphore_mem>>
    tpu.wait_indirect_dma semaphore(%dma_wait3A_220 : memref<!tpu.dma_semaphore, #tpu.memory_space<semaphore_mem>>) src(%dma_wait3A_213 : memref<104x128xf32, #tpu.memory_space<vmem>>) dst(%dma_wait3A_218 : memref<10000x128xf32, #tpu.memory_space<vmem_shared>>)
    %dma_start3A_221 = arith.constant 0 : i32
    %dma_start3A_222 = arith.constant 0 : i32
    %dma_start3A_223 = arith.constant 0 : i32
    %dma_start3A_224 = arith.constant 0 : i32
    %dma_start3A_225 = tpu.memref_slice %arg10[%dma_start3A_222, %dma_start3A_223, %dma_start3A_224] : memref<2x104x128xf32, #tpu.memory_space<vmem>> -> memref<1x16x128xf32, #tpu.memory_space<vmem>>
    %dma_start3A_226 = tpu.memref_squeeze %dma_start3A_225 : memref<1x16x128xf32, #tpu.memory_space<vmem>> -> memref<16x128xf32, #tpu.memory_space<vmem>>
    %dma_start3A_227 = arith.constant 0 : i32
    %dma_start3A_228 = tpu.memref_slice %arg11[%dma_start3A_221, %dma_start3A_227] : memref<2x16xi32, #tpu.memory_space<vmem>> -> memref<1x16xi32, #tpu.memory_space<vmem>>
    %dma_start3A_229 = tpu.memref_squeeze %dma_start3A_228 : memref<1x16xi32, #tpu.memory_space<vmem>> -> memref<16xi32, #tpu.memory_space<vmem>>
    %dma_start3A_230 = arith.constant 0 : i32
    %dma_start3A_231 = arith.constant 0 : i32
    %dma_start3A_232 = tpu.memref_slice %arg2[%dma_start3A_230, %dma_start3A_231] : memref<10000x128xf32, #tpu.memory_space<hbm>> -> memref<10000x128xf32, #tpu.memory_space<hbm>>
    tpu.enqueue_indirect_dma source(%dma_start3A_232 : memref<10000x128xf32, #tpu.memory_space<hbm>>) target(%dma_start3A_226 : memref<16x128xf32, #tpu.memory_space<vmem>>) offsets(%dma_start3A_229 : memref<16xi32, #tpu.memory_space<vmem>>) semaphore(%arg15 : memref<!tpu.dma_semaphore, #tpu.memory_space<semaphore_mem>>)
    %dma_wait3A_233 = arith.constant 0 : i32
    %dma_wait3A_234 = arith.constant 0 : i32
    %dma_wait3A_235 = arith.constant 0 : i32
    %dma_wait3A_236 = arith.constant 0 : i32
    %dma_wait3A_237 = tpu.memref_slice %arg10[%dma_wait3A_234, %dma_wait3A_235, %dma_wait3A_236] : memref<2x104x128xf32, #tpu.memory_space<vmem>> -> memref<1x16x128xf32, #tpu.memory_space<vmem>>
    %dma_wait3A_238 = tpu.memref_squeeze %dma_wait3A_237 : memref<1x16x128xf32, #tpu.memory_space<vmem>> -> memref<16x128xf32, #tpu.memory_space<vmem>>
    %dma_wait3A_239 = arith.constant 0 : i32
    %dma_wait3A_240 = tpu.memref_slice %arg11[%dma_wait3A_233, %dma_wait3A_239] : memref<2x16xi32, #tpu.memory_space<vmem>> -> memref<1x16xi32, #tpu.memory_space<vmem>>
    %dma_wait3A_241 = tpu.memref_squeeze %dma_wait3A_240 : memref<1x16xi32, #tpu.memory_space<vmem>> -> memref<16xi32, #tpu.memory_space<vmem>>
    %dma_wait3A_242 = arith.constant 0 : i32
    %dma_wait3A_243 = arith.constant 0 : i32
    %dma_wait3A_244 = tpu.memref_slice %arg2[%dma_wait3A_242, %dma_wait3A_243] : memref<10000x128xf32, #tpu.memory_space<hbm>> -> memref<10000x128xf32, #tpu.memory_space<hbm>>
    tpu.wait_indirect_dma semaphore(%arg15 : memref<!tpu.dma_semaphore, #tpu.memory_space<semaphore_mem>>) src(%dma_wait3A_244 : memref<10000x128xf32, #tpu.memory_space<hbm>>) dst(%dma_wait3A_238 : memref<16x128xf32, #tpu.memory_space<vmem>>)
    %run_scoped3A = arith.constant 0 : i32
    %run_scoped3A_245 = arith.constant 1 : i32
    "tpu.region"() ({
      %run_scoped3A_269 = tpu.sem_alloc : memref<!tpu.dma_semaphore, #tpu.memory_space<semaphore_mem>>
      %dma_start3A_270 = arith.constant 0 : i32
      %dma_start3A_271 = arith.constant 0 : i32
      %dma_start3A_272 = tpu.memref_slice %arg10[%run_scoped3A, %dma_start3A_270, %dma_start3A_271] : memref<2x104x128xf32, #tpu.memory_space<vmem>> -> memref<1x16x128xf32, #tpu.memory_space<vmem>>
      %dma_start3A_273 = tpu.memref_squeeze %dma_start3A_272 : memref<1x16x128xf32, #tpu.memory_space<vmem>> -> memref<16x128xf32, #tpu.memory_space<vmem>>
      %dma_start3A_274 = arith.constant 0 : i32
      %dma_start3A_275 = tpu.memref_slice %arg11[%run_scoped3A_245, %dma_start3A_274] : memref<2x16xi32, #tpu.memory_space<vmem>> -> memref<1x16xi32, #tpu.memory_space<vmem>>
      %dma_start3A_276 = tpu.memref_squeeze %dma_start3A_275 : memref<1x16xi32, #tpu.memory_space<vmem>> -> memref<16xi32, #tpu.memory_space<vmem>>
      %dma_start3A_277 = arith.constant 0 : i32
      %dma_start3A_278 = arith.constant 0 : i32
      %dma_start3A_279 = tpu.memref_slice %arg12[%dma_start3A_277, %dma_start3A_278] : memref<10000x128xf32, #tpu.memory_space<vmem_shared>> -> memref<10000x128xf32, #tpu.memory_space<vmem_shared>>
      tpu.enqueue_indirect_dma source(%dma_start3A_273 : memref<16x128xf32, #tpu.memory_space<vmem>>) target(%dma_start3A_279 : memref<10000x128xf32, #tpu.memory_space<vmem_shared>>) offsets(%dma_start3A_276 : memref<16xi32, #tpu.memory_space<vmem>>) semaphore(%run_scoped3A_269 : memref<!tpu.dma_semaphore, #tpu.memory_space<semaphore_mem>>) {add = true}
      %dma_wait3A_280 = arith.constant 0 : i32
      %dma_wait3A_281 = arith.constant 0 : i32
      %dma_wait3A_282 = tpu.memref_slice %arg10[%run_scoped3A, %dma_wait3A_280, %dma_wait3A_281] : memref<2x104x128xf32, #tpu.memory_space<vmem>> -> memref<1x16x128xf32, #tpu.memory_space<vmem>>
      %dma_wait3A_283 = tpu.memref_squeeze %dma_wait3A_282 : memref<1x16x128xf32, #tpu.memory_space<vmem>> -> memref<16x128xf32, #tpu.memory_space<vmem>>
      %dma_wait3A_284 = arith.constant 0 : i32
      %dma_wait3A_285 = tpu.memref_slice %arg11[%run_scoped3A_245, %dma_wait3A_284] : memref<2x16xi32, #tpu.memory_space<vmem>> -> memref<1x16xi32, #tpu.memory_space<vmem>>
      %dma_wait3A_286 = tpu.memref_squeeze %dma_wait3A_285 : memref<1x16xi32, #tpu.memory_space<vmem>> -> memref<16xi32, #tpu.memory_space<vmem>>
      %dma_wait3A_287 = arith.constant 0 : i32
      %dma_wait3A_288 = arith.constant 0 : i32
      %dma_wait3A_289 = tpu.memref_slice %arg12[%dma_wait3A_287, %dma_wait3A_288] : memref<10000x128xf32, #tpu.memory_space<vmem_shared>> -> memref<10000x128xf32, #tpu.memory_space<vmem_shared>>
      tpu.wait_indirect_dma semaphore(%run_scoped3A_269 : memref<!tpu.dma_semaphore, #tpu.memory_space<semaphore_mem>>) src(%dma_wait3A_283 : memref<16x128xf32, #tpu.memory_space<vmem>>) dst(%dma_wait3A_289 : memref<10000x128xf32, #tpu.memory_space<vmem_shared>>)
      tpu.yield
    }) : () -> ()
    %dma_wait3A_246 = arith.constant 1 : i32
    %dma_wait3A_247 = arith.constant 1 : i32
    %dma_wait3A_248 = arith.constant 0 : i32
    %dma_wait3A_249 = arith.constant 0 : i32
    %dma_wait3A_250 = tpu.memref_slice %arg10[%dma_wait3A_246, %dma_wait3A_248, %dma_wait3A_249] : memref<2x104x128xf32, #tpu.memory_space<vmem>> -> memref<1x104x128xf32, #tpu.memory_space<vmem>>
    %dma_wait3A_251 = tpu.memref_squeeze %dma_wait3A_250 : memref<1x104x128xf32, #tpu.memory_space<vmem>> -> memref<104x128xf32, #tpu.memory_space<vmem>>
    %dma_wait3A_252 = arith.constant 9880 : i32
    %dma_wait3A_253 = tpu.memref_slice %arg9[%dma_wait3A_252] : memref<10000xi32, #tpu.memory_space<vmem>> -> memref<104xi32, #tpu.memory_space<vmem>>
    %dma_wait3A_254 = arith.constant 0 : i32
    %dma_wait3A_255 = arith.constant 0 : i32
    %dma_wait3A_256 = tpu.memref_slice %arg12[%dma_wait3A_254, %dma_wait3A_255] : memref<10000x128xf32, #tpu.memory_space<vmem_shared>> -> memref<10000x128xf32, #tpu.memory_space<vmem_shared>>
    %dma_wait3A_257 = tpu.memref_slice %arg14[%dma_wait3A_247] : memref<2x!tpu.dma_semaphore, #tpu.memory_space<semaphore_mem>> -> memref<1x!tpu.dma_semaphore, #tpu.memory_space<semaphore_mem>>
    %dma_wait3A_258 = tpu.memref_squeeze %dma_wait3A_257 : memref<1x!tpu.dma_semaphore, #tpu.memory_space<semaphore_mem>> -> memref<!tpu.dma_semaphore, #tpu.memory_space<semaphore_mem>>
    tpu.wait_indirect_dma semaphore(%dma_wait3A_258 : memref<!tpu.dma_semaphore, #tpu.memory_space<semaphore_mem>>) src(%dma_wait3A_251 : memref<104x128xf32, #tpu.memory_space<vmem>>) dst(%dma_wait3A_256 : memref<10000x128xf32, #tpu.memory_space<vmem_shared>>)
    %barrier3A = arith.constant 0 : index
    tpu.barrier barrier_id(%barrier3A)
    %lt3A_259 = arith.constant 15 : i32
    %lt3A_260 = arith.cmpi slt, %arg1, %lt3A_259 : i32
    %convert_element_type3A_261 = arith.extui %lt3A_260 : i1 to i32
    %cond3A_262 = arith.constant 0 : i32
    %cond3A_263 = arith.cmpi ne, %convert_element_type3A_261, %cond3A_262 : i32
    scf.if %cond3A_263 {
      %mul3A_269 = arith.constant 640 : i32
      %mul3A_270 = arith.muli %arg1, %mul3A_269 : i32
      %mul3A_271 = arith.constant 640 : i32
      %mul3A_272 = arith.muli %arg1, %mul3A_271 : i32
      "tpu.region"() ({
        %run_scoped3A_273 = tpu.sem_alloc : memref<!tpu.dma_semaphore, #tpu.memory_space<semaphore_mem>>
        %dma_start3A_274 = arith.constant 0 : i32
        %dma_start3A_275 = tpu.memref_slice %arg7[%arg0, %mul3A_272, %dma_start3A_274] : memref<2x10000x128xf32, #tpu.memory_space<hbm>> -> memref<1x640x128xf32, #tpu.memory_space<hbm>>
        %dma_start3A_276 = tpu.memref_squeeze %dma_start3A_275 : memref<1x640x128xf32, #tpu.memory_space<hbm>> -> memref<640x128xf32, #tpu.memory_space<hbm>>
        %dma_start3A_277 = arith.constant 0 : i32
        %dma_start3A_278 = tpu.memref_slice %arg12[%mul3A_270, %dma_start3A_277] : memref<10000x128xf32, #tpu.memory_space<vmem_shared>> -> memref<640x128xf32, #tpu.memory_space<vmem_shared>>
        tpu.enqueue_dma source(%dma_start3A_278 : memref<640x128xf32, #tpu.memory_space<vmem_shared>>) target(%dma_start3A_276 : memref<640x128xf32, #tpu.memory_space<hbm>>) target_semaphore(%run_scoped3A_273 : memref<!tpu.dma_semaphore, #tpu.memory_space<semaphore_mem>>)
        %dma_wait3A_279 = arith.constant 0 : i32
        %dma_wait3A_280 = tpu.memref_slice %arg7[%arg0, %mul3A_272, %dma_wait3A_279] : memref<2x10000x128xf32, #tpu.memory_space<hbm>> -> memref<1x640x128xf32, #tpu.memory_space<hbm>>
        %dma_wait3A_281 = tpu.memref_squeeze %dma_wait3A_280 : memref<1x640x128xf32, #tpu.memory_space<hbm>> -> memref<640x128xf32, #tpu.memory_space<hbm>>
        %dma_wait3A_282 = arith.constant 0 : i32
        %dma_wait3A_283 = tpu.memref_slice %arg12[%mul3A_270, %dma_wait3A_282] : memref<10000x128xf32, #tpu.memory_space<vmem_shared>> -> memref<640x128xf32, #tpu.memory_space<vmem_shared>>
        tpu.wait_dma2 semaphore(%run_scoped3A_273 : memref<!tpu.dma_semaphore, #tpu.memory_space<semaphore_mem>>) src(%dma_wait3A_283 : memref<640x128xf32, #tpu.memory_space<vmem_shared>>) dst(%dma_wait3A_281 : memref<640x128xf32, #tpu.memory_space<hbm>>)
        tpu.yield
      }) : () -> ()
    } else {
    }
    %eq3A_264 = arith.constant 15 : i32
    %eq3A_265 = arith.cmpi eq, %arg1, %eq3A_264 : i32
    %convert_element_type3A_266 = arith.extui %eq3A_265 : i1 to i32
    %cond3A_267 = arith.constant 0 : i32
    %cond3A_268 = arith.cmpi ne, %convert_element_type3A_266, %cond3A_267 : i32
    scf.if %cond3A_268 {
      "tpu.region"() ({
        %run_scoped3A_269 = tpu.sem_alloc : memref<!tpu.dma_semaphore, #tpu.memory_space<semaphore_mem>>
        %dma_start3A_270 = arith.constant 9600 : i32
        %dma_start3A_271 = arith.constant 0 : i32
        %dma_start3A_272 = tpu.memref_slice %arg7[%arg0, %dma_start3A_270, %dma_start3A_271] : memref<2x10000x128xf32, #tpu.memory_space<hbm>> -> memref<1x400x128xf32, #tpu.memory_space<hbm>>
        %dma_start3A_273 = tpu.memref_squeeze %dma_start3A_272 : memref<1x400x128xf32, #tpu.memory_space<hbm>> -> memref<400x128xf32, #tpu.memory_space<hbm>>
        %dma_start3A_274 = arith.constant 9600 : i32
        %dma_start3A_275 = arith.constant 0 : i32
        %dma_start3A_276 = tpu.memref_slice %arg12[%dma_start3A_274, %dma_start3A_275] : memref<10000x128xf32, #tpu.memory_space<vmem_shared>> -> memref<400x128xf32, #tpu.memory_space<vmem_shared>>
        tpu.enqueue_dma source(%dma_start3A_276 : memref<400x128xf32, #tpu.memory_space<vmem_shared>>) target(%dma_start3A_273 : memref<400x128xf32, #tpu.memory_space<hbm>>) target_semaphore(%run_scoped3A_269 : memref<!tpu.dma_semaphore, #tpu.memory_space<semaphore_mem>>)
        %dma_wait3A_277 = arith.constant 9600 : i32
        %dma_wait3A_278 = arith.constant 0 : i32
        %dma_wait3A_279 = tpu.memref_slice %arg7[%arg0, %dma_wait3A_277, %dma_wait3A_278] : memref<2x10000x128xf32, #tpu.memory_space<hbm>> -> memref<1x400x128xf32, #tpu.memory_space<hbm>>
        %dma_wait3A_280 = tpu.memref_squeeze %dma_wait3A_279 : memref<1x400x128xf32, #tpu.memory_space<hbm>> -> memref<400x128xf32, #tpu.memory_space<hbm>>
        %dma_wait3A_281 = arith.constant 9600 : i32
        %dma_wait3A_282 = arith.constant 0 : i32
        %dma_wait3A_283 = tpu.memref_slice %arg12[%dma_wait3A_281, %dma_wait3A_282] : memref<10000x128xf32, #tpu.memory_space<vmem_shared>> -> memref<400x128xf32, #tpu.memory_space<vmem_shared>>
        tpu.wait_dma2 semaphore(%run_scoped3A_269 : memref<!tpu.dma_semaphore, #tpu.memory_space<semaphore_mem>>) src(%dma_wait3A_283 : memref<400x128xf32, #tpu.memory_space<vmem_shared>>) dst(%dma_wait3A_280 : memref<400x128xf32, #tpu.memory_space<hbm>>)
        tpu.yield
      }) : () -> ()
    } else {
    }
    return
  }
}

module attributes {stable_mosaic.version = 14 : i64} {
  func.func @_matmul_body(%arg0: i32, %arg1: memref<2000x128xf32, #tpu.memory_space<vmem>>, %arg2: memref<128x128xf32, #tpu.memory_space<vmem>>, %arg3: memref<1x128xf32, #tpu.memory_space<vmem>>, %arg4: memref<2000x128xf32, #tpu.memory_space<vmem>>) attributes {dimension_semantics = [#tpu.dimension_semantics<arbitrary>], iteration_bounds = array<i64: 5>, scalar_prefetch = 0 : i64, scratch_operands = 0 : i64, tpu.core_type = #tpu.core_type<tc>, window_params = [{transform_indices = @transform_0, window_bounds = array<i64: 2000, 128>}, {pipeline_mode = #tpu.pipeline_mode<synchronous>, transform_indices = @transform_1, window_bounds = array<i64: 128, 128>}, {pipeline_mode = #tpu.pipeline_mode<synchronous>, transform_indices = @transform_2, window_bounds = array<i64: 1, 128>}, {transform_indices = @transform_3, window_bounds = array<i64: 2000, 128>}]} {
    %get3A = arith.constant 0 : index
    %get3A_0 = arith.constant 0 : index
    %get3A_1 = vector.load %arg1[%get3A, %get3A_0] : memref<2000x128xf32, #tpu.memory_space<vmem>>, vector<2000x128xf32>
    %get3A_2 = arith.constant 0 : index
    %get3A_3 = arith.constant 0 : index
    %get3A_4 = vector.load %arg2[%get3A_2, %get3A_3] : memref<128x128xf32, #tpu.memory_space<vmem>>, vector<128x128xf32>
    %dot_general3A = arith.constant dense<0.000000e+00> : vector<2000x128xf32>
    %dot_general3A_5 = tpu.matmul %get3A_1, %get3A_4, %dot_general3A {dimension_numbers = #tpu.dot_dimension_numbers<[1], [1], [0], [0], [0, 0, 1, 0], [], []>, transpose_lhs_hint = false} : vector<2000x128xf32>, vector<128x128xf32>, vector<2000x128xf32> -> vector<2000x128xf32>
    %get3A_6 = arith.constant 0 : index
    %get3A_7 = arith.constant 0 : index
    %get3A_8 = vector.load %arg3[%get3A_6, %get3A_7] : memref<1x128xf32, #tpu.memory_space<vmem>>, vector<1x128xf32>
    %add3A = vector.broadcast %get3A_8 : vector<1x128xf32> to vector<2000x128xf32>
    %add3A_9 = arith.addf %dot_general3A_5, %add3A : vector<2000x128xf32>
    %swap3A = arith.constant 0 : index
    %swap3A_10 = arith.constant 0 : index
    %swap3A_11 = vector.load %arg4[%swap3A, %swap3A_10] : memref<2000x128xf32, #tpu.memory_space<vmem>>, vector<2000x128xf32>
    tpu.vector_store %arg4[%swap3A, %swap3A_10], %add3A_9 {strides = array<i32>} : memref<2000x128xf32, #tpu.memory_space<vmem>>, vector<2000x128xf32>,
    return
  }
  func.func @transform_0(%arg0: i32) -> (i32, i32) {
    %c0_i32 = arith.constant 0 : i32
    %c0_i32_0 = arith.constant 0 : i32
    return %arg0, %c0_i32 : i32, i32
  }
  func.func @transform_1(%arg0: i32) -> (i32, i32) {
    %c0_i32 = arith.constant 0 : i32
    %c0_i32_0 = arith.constant 0 : i32
    %c0_i32_1 = arith.constant 0 : i32
    return %c0_i32, %c0_i32_0 : i32, i32
  }
  func.func @transform_2(%arg0: i32) -> (i32, i32) {
    %c0_i32 = arith.constant 0 : i32
    %c0_i32_0 = arith.constant 0 : i32
    %c0_i32_1 = arith.constant 0 : i32
    return %c0_i32, %c0_i32_0 : i32, i32
  }
  func.func @transform_3(%arg0: i32) -> (i32, i32) {
    %c0_i32 = arith.constant 0 : i32
    %c0_i32_0 = arith.constant 0 : i32
    return %arg0, %c0_i32 : i32, i32
  }
}

module attributes {stable_mosaic.version = 14 : i64} {
  func.func @_add_body(%arg0: i32, %arg1: memref<1x2000x128xf32, #tpu.memory_space<vmem>>, %arg2: memref<1x2000x128xf32, #tpu.memory_space<vmem>>, %arg3: memref<2000x128xf32, #tpu.memory_space<vmem>>) attributes {dimension_semantics = [#tpu.dimension_semantics<arbitrary>], iteration_bounds = array<i64: 5>, scalar_prefetch = 0 : i64, scratch_operands = 0 : i64, tpu.core_type = #tpu.core_type<tc>, window_params = [{transform_indices = @transform_0, window_bounds = array<i64: 1, 2000, 128>}, {transform_indices = @transform_1, window_bounds = array<i64: 1, 2000, 128>}, {transform_indices = @transform_2, window_bounds = array<i64: 2000, 128>}]} {
    %get3A = arith.constant 0 : index
    %get3A_0 = arith.constant 0 : index
    %get3A_1 = arith.constant 0 : index
    %get3A_2 = vector.load %arg1[%get3A, %get3A_0, %get3A_1] : memref<1x2000x128xf32, #tpu.memory_space<vmem>>, vector<1x2000x128xf32>
    %get3A_3 = vector.shape_cast %get3A_2 : vector<1x2000x128xf32> to vector<2000x128xf32>
    %get3A_4 = arith.constant 0 : index
    %get3A_5 = arith.constant 0 : index
    %get3A_6 = arith.constant 0 : index
    %get3A_7 = vector.load %arg2[%get3A_4, %get3A_5, %get3A_6] : memref<1x2000x128xf32, #tpu.memory_space<vmem>>, vector<1x2000x128xf32>
    %get3A_8 = vector.shape_cast %get3A_7 : vector<1x2000x128xf32> to vector<2000x128xf32>
    %add3A = arith.addf %get3A_3, %get3A_8 : vector<2000x128xf32>
    %swap3A = arith.constant 0 : index
    %swap3A_9 = arith.constant 0 : index
    %swap3A_10 = vector.load %arg3[%swap3A, %swap3A_9] : memref<2000x128xf32, #tpu.memory_space<vmem>>, vector<2000x128xf32>
    tpu.vector_store %arg3[%swap3A, %swap3A_9], %add3A {strides = array<i32>} : memref<2000x128xf32, #tpu.memory_space<vmem>>, vector<2000x128xf32>,
    return
  }
  func.func @transform_0(%arg0: i32) -> (i32, i32, i32) {
    %c0_i32 = arith.constant 0 : i32
    %c0_i32_0 = arith.constant 0 : i32
    %c0_i32_1 = arith.constant 0 : i32
    return %c0_i32, %arg0, %c0_i32_0 : i32, i32, i32
  }
  func.func @transform_1(%arg0: i32) -> (i32, i32, i32) {
    %c1_i32 = arith.constant 1 : i32
    %c0_i32 = arith.constant 0 : i32
    %c0_i32_0 = arith.constant 0 : i32
    return %c1_i32, %arg0, %c0_i32 : i32, i32, i32
  }
  func.func @transform_2(%arg0: i32) -> (i32, i32) {
    %c0_i32 = arith.constant 0 : i32
    %c0_i32_0 = arith.constant 0 : i32
    return %arg0, %c0_i32 : i32, i32
  }
}

</mosaic_0001>

<sc_bundles>
// kernel: kernel.5.cloned.1.call-start
scs
__scs_entry_jumppad:
0x0: {  	(pc) =	sbr.rel $0x88, $3  }
0x1: {  	(tag) =	ssettag $0x0;
	lr =	simm.s32 $0x1  }
0x2: {  	[smem:$0x3F9D] =	sst lr;
	_ =	strace $0xD0000000  }
0x3: {  	_ = 	snop  }
0x4: {  	_ = 	snop  }
0x5: {  	_ = 	snop  }
0x6: {  	_ = 	snop  }
0x7: {  	_ = 	snop  }
__scs_overlays_trampoline_lowered:
0x8: {  	[smem:$0x3FAC] =	sst s0  }
0x9: {  	[smem:$0x3FAD] =	sst s1  }
0xa: {  	[smem:$0x3FAE] =	sst s2  }
0xb: {  	[smem:$0x3FAF] =	sst s3  }
0xc: {  	[smem:$0x3FB0] =	sst s4  }
0xd: {  	[smem:$0x3FB1] =	sst s5  }
0xe: {  	[smem:$0x3FB2] =	sst s6  }
0xf: {  	[smem:$0x3FB3] =	sst s7  }
0x10: {  	[smem:$0x3FB4] =	sst s8  }
0x11: {  	[smem:$0x3FB5] =	sst s9;
	s0 =	simm.s32 @!p0 $0x0  }
0x12: {  	s1 =	sld [smem:$0x3F9B];
	s0 =	simm.s32 @p0 $0x1  }
0x13: {  	[smem:$0x3FB6] =	sst s0;
	s0 =	simm.s32 @!p1 $0x0  }
0x14: {  	s2 =	sld [smem:$0x3F9A];
	s0 =	simm.s32 @p1 $0x1  }
0x15: {  	[smem:$0x3FB7] =	sst s0;
	s0 =	simm.s32 @!p2 $0x0  }
0x16: {  	s3 =	sld [smem:$0x3FDB];
	s0 =	simm.s32 @p2 $0x1  }
0x17: {  	s4 =	simm.s32 $0x1BF5;
	[smem:$0x3FB9] =	sst s0  }
0x18: {  	s0 =	sld [smem:$0x3F9C];
	_ =	swait.ge [sflag:s4], $0x0  }
0x19: {  	s7 =	sld [smem:$0x3F9D]  }
0x1a: {  	s8 =	sadd.s32 $0xFFFFE003, lr  }
0x1b: {  	s9 =	sadd.s32 $0xFFFFFEF7, lr;
	s5 =	simm.s32 $0xFFFFFFFF;
	p2 =	slt.u32 s8, $0xFFFFF086  }
0x1c: {  	p1 =	slt.u32 s9, $0xF7A;
	s5 =	simm.s32 @!p2 $0x0  }
0x1d: {  	s5 =	simm.s32 @p1 $0x1;
	p0 =	seq.s32 s7, s2  }
0x1e: {  	s7 =	smul.u32 @!p0 $0xF7A, s2;
	p2 =	seq.s32 @!p0 s5, $0x0  }
0x1f: {  	s9 =	smul.u32 $0xF7A, s1;
	s8 =	simm.s32 @!p0 $0x1BF5;
	p2 =	por !p2, p0  }
0x20: {  	[sflag:s8] =	ssyncset.s32 @!p0 $0xFFFFF086;
	s6 =	sadd.s32 @!p0 s3, s7;
	s7 =	simm.s32 @!p0 $0x108  }
0x21: {  	s3 =	sadd.s32 s3, s9;
	s6 =	sadd.s32 @!p0 $0x88, s6;
	s7 =	simm.s32 @p2 $0x1082  }
0x22: {  	[simem:s7], [sflag:s8] =	dma.local @!p0 [hbm:s6], $0xF7A  }
0x23: {  	s9 =	sor.u32 $0xD0000000, s2;
	s6 =	simm.s32 $0x108;
	_ =	swait.ge @!p0 [sflag:s8], $0x0  }
0x24: {  	s3 =	sadd.s32 $0x88, s3;
	s6 =	simm.s32 @!p1 $0x1082;
	[sflag:s4] =	ssyncset.s32 $0xFFFFF086  }
0x25: {  	[simem:s6], [sflag:s4] =	dma.local [hbm:s3], $0xF7A  }
0x26: {  	[smem:$0x3F9D] =	sst s1;
	(tag) =	ssettag s2;
	_ =	strace s9  }
0x27: {  	s1 =	sld [smem:$0x3FAD]  }
0x28: {  	s2 =	sld [smem:$0x3FAE]  }
0x29: {  	s4 =	sld [smem:$0x3FB0]  }
0x2a: {  	p0 =	seq.s32 s5, $0x0;
	s5 =	sld [smem:$0x3FB1]  }
0x2b: {  	s6 =	sld [smem:$0x3FB2]  }
0x2c: {  	s7 =	sld [smem:$0x3FB3]  }
0x2d: {  	s3 =	simm.s32 $0x108;
	s8 =	sld [smem:$0x3FB4]  }
0x2e: {  	s3 =	simm.s32 @!p0 $0x1082;
	s9 =	sld [smem:$0x3FB5]  }
0x2f: {  	lr =	sadd.s32 s0, s3;
	s0 =	sld [smem:$0x3FAC]  }
0x30: {  	s3 =	sld [smem:$0x3FAF]  }
0x31: {  	[smem:$0x3FB8] =	sst s10  }
0x32: {  	s10 =	sld [smem:$0x3FB6];
	_ =	sdelay $0x3  }
0x33: {  	p0 =	seq.s32 s10, $0x1;
	s10 =	sld [smem:$0x3FB8];
	_ =	sdelay $0x3  }
0x34: {  	[smem:$0x3FB8] =	sst s10  }
0x35: {  	s10 =	sld [smem:$0x3FB7];
	_ =	sdelay $0x3  }
0x36: {  	p1 =	seq.s32 s10, $0x1;
	s10 =	sld [smem:$0x3FB8];
	_ =	sdelay $0x3  }
0x37: {  	[smem:$0x3FB8] =	sst s10  }
0x38: {  	s10 =	sld [smem:$0x3FB9]  }
0x39: {  	_ = 	snop;
	(pc) =	sbr.ind lr, $3  }
0x3a: {  	_ = 	snop  }
0x3b: {  	_ = 	snop  }
0x3c: {  	p2 =	seq.s32 s10, $0x1;
	s10 =	sld [smem:$0x3FB8]  }
0x3d: {  	_ =	shalt  }
0x3e: {  	_ =	shalt  }
0x3f: {  	_ =	shalt  }
0x40: {  	_ =	shalt  }
0x41: {  	_ =	shalt  }
0x42: {  	_ =	shalt  }
0x43: {  	_ =	shalt  }
0x44: {  	_ =	shalt  }
0x45: {  	_ =	shalt  }
0x46: {  	_ =	shalt  }
0x47: {  	_ =	shalt  }
0x48: {  	_ =	shalt  }
0x49: {  	_ =	shalt  }
0x4a: {  	_ =	shalt  }
0x4b: {  	_ =	shalt  }
0x4c: {  	_ =	shalt  }
0x4d: {  	_ =	shalt  }
0x4e: {  	_ =	shalt  }
0x4f: {  	_ =	shalt  }
0x50: {  	_ =	shalt  }
0x51: {  	_ =	shalt  }
0x52: {  	_ =	shalt  }
0x53: {  	_ =	shalt  }
0x54: {  	_ =	shalt  }
0x55: {  	_ =	shalt  }
0x56: {  	_ =	shalt  }
0x57: {  	_ =	shalt  }
0x58: {  	_ =	shalt  }
0x59: {  	_ =	shalt  }
0x5a: {  	_ =	shalt  }
0x5b: {  	_ =	shalt  }
0x5c: {  	_ =	shalt  }
0x5d: {  	_ =	shalt  }
0x5e: {  	_ =	shalt  }
0x5f: {  	_ =	shalt  }
0x60: {  	_ =	shalt  }
0x61: {  	_ =	shalt  }
0x62: {  	_ =	shalt  }
0x63: {  	_ =	shalt  }
0x64: {  	_ =	shalt  }
0x65: {  	_ =	shalt  }
0x66: {  	_ =	shalt  }
0x67: {  	_ =	shalt  }
0x68: {  	_ =	shalt  }
0x69: {  	_ =	shalt  }
0x6a: {  	_ =	shalt  }
0x6b: {  	_ =	shalt  }
0x6c: {  	_ =	shalt  }
0x6d: {  	_ =	shalt  }
0x6e: {  	_ =	shalt  }
0x6f: {  	_ =	shalt  }
0x70: {  	_ =	shalt  }
0x71: {  	_ =	shalt  }
0x72: {  	_ =	shalt  }
0x73: {  	_ =	shalt  }
0x74: {  	_ =	shalt  }
0x75: {  	_ =	shalt  }
0x76: {  	_ =	shalt  }
0x77: {  	_ =	shalt  }
0x78: {  	_ =	shalt  }
0x79: {  	_ =	shalt  }
0x7a: {  	_ =	shalt  }
0x7b: {  	_ =	shalt  }
0x7c: {  	_ =	shalt  }
0x7d: {  	_ =	shalt  }
0x7e: {  	_ =	shalt  }
0x7f: {  	_ =	shalt  }
0x80: {  	_ =	shalt  }
0x81: {  	_ =	shalt  }
0x82: {  	_ =	shalt  }
0x83: {  	_ =	shalt  }
0x84: {  	_ =	shalt  }
0x85: {  	_ =	shalt  }
0x86: {  	_ =	shalt  }
0x87: {  	_ =	shalt  }
.Lfunc_end0:
.L_simem_size_0:
called_computation_lowered:
.L_overlay_start_0:
0x88: {  	s2 =	sld [smem:$0x3FD9]  }
0x89: {  	s3 =	sld [smem:$0x3FFE];
	_ =	sdelay $0x1  }
0x8a: {  	s1 =	srdreg.scid  }
0x8b: {  	s0 =	sand.u32 $0x1, s1  }
0x8c: {  	s17 =	sshll.u32 s0, $0xA;
	s2 =	sadd.s32 s3, s2  }
0x8d: {  	s2 =	sadd.s32 s2, s17  }
0x8e: {  	[smem:$0x3FC4] =	sst s2  }
0x8f: {  	_ = 	snop  }
0x90: {  	s2 =	sld [smem:$0x3FD0];
	(tm) =	ssettm $0x1  }
0x91: {  	s18 =	sld [smem:$0x3FFB];
	_ =	sdelay $0x3  }
0x92: {  	_ =	strace s18  }
0x93: {  	s3 =	sld [smem:$0x3FFC];
	_ =	sdelay $0x3  }
0x94: {  	_ =	strace s3  }
0x95: {  	s3 =	sld [smem:$0x3FFD];
	_ =	sdelay $0x3  }
0x96: {  	_ =	strace s3  }
0x97: {  	_ =	strace $0x8FFFFFFF  }
0x98: {  	s19 =	sld [smem:$0x3FDB];
	_ =	sdelay $0x1  }
0x99: {  	s4 =	simm.s32 $_scs_section_size  }
0x9a: {  	s5 =	simm.s32 $_size__tile_overlayer_lowered;
	s6 =	simm.s32 $_tile_overlayer_lowered  }
0x9b: {  	s22 =	simm.s32 $0x1BFF;
	s21 =	sshll.u32 s6, $0x1;
	s3 =	sadd.s32 s4, s19  }
0x9c: {  	s7 =	simm.s32 $0x0;
	s20 =	sshll.u32 s5, $0x1;
	s5 =	sadd.s32 s21, s3  }
0x9d: {  	[timem:s7], [sflag:s22] =	dma.local [hbm:s5], s20  }
0x9e: {  	_ =	swait.ge [sflag:s22], s20  }
0x9f: {  	s4 =	ssub.s32 $0x0, s20;
	[sflag:s22] =	ssyncset.done $0x0  }
0xa0: {  	[sflag:s22] =	ssyncadd.s32 s4;
	_ =	sdelay $0x1  }
0xa1: {  	s23 =	simm.s32 $0x1B8B  }
0xa2: {  	_ =	swait.ge [sflag:s23], $0x1  }
0xa3: {  	[sflag:s23] =	ssyncset.done $0x0  }
0xa4: {  	s25 =	simm.s32 $0x1B8E;
	s24 =	sld [smem:$0x3FFE];
	[sflag:s23] =	ssyncadd.s32 $0xFFFFFFFF  }
0xa5: {  	s26 =	simm.s32 $execute0_lowered;
	[smem:$0x3FD2] =	sst s25  }
0xa6: {  	s5 =	sshll.u32 s26, $0x1;
	_ =	strace $0x80000046;
	[dreg:$0x1] =	wrdreg $0xFFFFFFFF  }
0xa7: {  	s28 =	simm.s32 $_size_execute0_lowered;
	s3 =	sadd.s32 s3, s5;
	[dreg:$0x0] =	wrdreg $0x0  }
0xa8: {  	s5 =	sshll.u32 s28, $0x1;
	[dreg:$0x2] =	wrdreg s3  }
0xa9: {  	[dreg:$0x3] =	wrdreg s5  }
0xaa: {  	[dreg:$0x4] =	wrdreg $0xC0  }
0xab: {  	_ =	task [dreg:s7], $0x5FFFF  }
0xac: {  	[dreg:$0x1] =	wrdreg $0xFFFFFFFF  }
0xad: {  	[dreg:$0x0] =	wrdreg $0x60  }
0xae: {  	[dreg:$0x2] =	wrdreg s2  }
0xaf: {  	[dreg:$0x3] =	wrdreg s24  }
0xb0: {  	[dreg:$0x4] =	wrdreg $0xB8000  }
0xb1: {  	[dreg:$0x5] =	wrdreg $0x9  }
0xb2: {  	_ =	task.clear_ibuf [dreg:s7], $0x6FFFF;
	_ =	strace $0x90000046  }
0xb3: {  	s29 =	simm.s32 $0x9;
	_ =	strace $0x80000048  }
0xb4: {  	_ =	swait.ge [sflag:s29], $0x1  }
0xb5: {  	[sflag:s29] =	ssyncadd.s32 $0xFFFFFFFF  }
0xb6: {  	_ =	strace $0x90000048  }
0xb7: {  	_ =	sfence  }
0xb8: {  	s30 =	sld [smem:$0x0];
	_ =	sdelay $0x2  }
0xb9: {  	s31 =	sshll.u32 s1, $0xD;
	s1 =	sshrl.u32 s1, $0x2  }
0xba: {  	s3 =	sand.u32 $0x4000, s31;
	s1 =	sadd.s32 s1, s30  }
0xbb: {  	s0 =	sor.u32 s3, s0;
	s1 =	sshll.u32 s1, $0x11  }
0xbc: {  	s0 =	sor.u32 s1, s0  }
0xbd: {  	s0 =	sadd.s32 $0x8F2B, s0  }
0xbe: {  	[sflag:s0] =	ssyncadd.remote.s32 $0x1  }
0xbf: {  	_ =	sfence.sel $0xFFFF  }
0xc0: {  	[dreg:$0x0] =	wrdreg $0xFFFFFFFF;
	(pc) =	sbr.abs _section_cstart, $3  }
0xc1: {  	[dreg:$0x1] =	wrdreg $0xFFFFFFFF  }
0xc2: {  	_ =	task.clear_ibuf [dreg:s7], $0x2FFFF;
	_ =	strace $0x9FFFFFFF  }
0xc3: {  	(tm) =	ssettm $0x7FFFFFFF  }
tec
execute0_lowered:
.L_overlay_start_1:
0x0: {  	(tag) =	ssettag $0x1  }
0x1: {  	s0 =	srdreg.scid  }
0x2: {  	s15 =	stileid.u32;
	s6 =	rddreg [dreg:$0x1];
	s16 =	simm.s32 $0x400  }
0x3: {  	s17 =	simm.s32 $0x6;
	s18 =	simm.s32 $0x2780;
	s19 =	simm.s32 $0xB700  }
0x4: {  	s20 =	simm.s32 $0x5;
	s21 =	simm.s32 $0x68;
	s22 =	simm.s32 $0x4F00  }
0x5: {  	s23 =	simm.s32 $0x1;
	s28 =	simm.s32 $0x3;
	s30 =	simm.s32 $0x4  }
0x6: {  	s31 =	simm.s32 $0x0;
	s0 =	sand.u32 $0x1, s0;
	s8 =	smul.u32 $0x50000, s15  }
0x7: {  	s4 =	sshll.u32 s15, $0x7;
	s10 =	sadd.s32 $0x17200, s6;
	s11 =	smul.u32 $0x14000, s15  }
0x8: {  	p0 =	seq.s32 s15, $0xF;
	s1 =	sshll.u32 s0, $0x4;
	s7 =	sand.u32 $0x380, s4  }
0x9: {  	s4 =	simm.s32 $0x0;
	s2 =	sor.u32 s15, s1;
	s1 =	rddreg [dreg:$0x0]  }
0xa: {  	s25 =	ssub.s32 $0x2, s0;
	s0 =	smul.u32 $0x138800, s0;
	[smem:$0x7FF] =	sst s4  }
0xb: {  	s9 =	sshrl.u32 s25, $0x1;
	s8 =	sshrl.u32 s8, $0x2;
	s3 =	sshrl.u32 s2, $0x3  }
0xc: {  	s2 =	sshll.u32 s2, $0x5;
	s12 =	ssub.s32 s25, s9;
	s26 =	sadd.s32 s11, s0  }
0xd: {  	s0 =	sshrl.u32 s0, $0x3;
	s25 =	simm.s32 $0x2;
	s5 =	smul.u32 $0x13C00, s3  }
0xe: {  	s3 =	rddreg [dreg:$0x2];
	_ =	strace $0x80000047;
	s2 =	sadd.s32 s2, s6  }
0xf: {  	s29 =	sshrl.u32 s26, $0x3;
	s0 =	sadd.s32 s10, s0;
	s11 =	smax.u32 s12, $0x1  }
0x10: {  	s26 =	simm.s32 $0x10;
	s14 =	sadd.s32 s8, s3;
	s13 =	sadd.s32 $0x12C000, s3  }
0x11: {  	s8 =	sadd.s32 $0x14600, s2;
	s9 =	sadd.s32 s10, s29;
	s10 =	sadd.s32 $0x25800, s0  }
0x12: {  	s0 =	sshll.u32 @!p0 s15, $0x6;
	s15 =	simm.s32 $0x80;
	s5 =	sor.u32 s7, s5  }
0x13: {  	s12 =	sshrl.u32 @p0 s13, $0x3;
	s13 =	sor.u32 @!p0 $0x1C06, s0;
	s5 =	sshrl.u32 s5, $0x3  }
0x14: {  	s14 =	sshrl.u32 @!p0 s14, $0x3;
	s24 =	sadd.s32 s5, s6;
	s5 =	sadd.s32 $0x14A00, s6  }
0x15: {  	s6 =	sadd.s32 $0xA800, s24;
	s7 =	sadd.s32 $0xA00, s24;
	s24 =	simm.s32 $0x8300  }
.LBB2_1:
0x16: {  	s0 =	simm.s32 @p0 $0x1FC6  }
0x17: {  	[spmem:s12], [sflag:s0] =	dma.local @p0 [hbm:s5], $0x1900  }
0x18: {  	s0 =	simm.s32 @p0 $0x6  }
0x19: {  	_ =	swait.ge @p0 [sflag:s0], $0x1900  }
0x1a: {  	[sflag:s0] =	ssyncset.done @p0 $0x0  }
0x1b: {  	[sflag:s0] =	ssyncadd.s32 @p0 $0xFFFFE700;
	s0 =	simm.s32 @!p0 $0x6  }
0x1c: {  	[spmem:s14], [sflag:s13] =	dma.local @!p0 [hbm:s5], $0x2800  }
0x1d: {  	_ =	swait.ge @!p0 [sflag:s0], $0x2800  }
0x1e: {  	[sflag:s0] =	ssyncset.done @!p0 $0x0  }
0x1f: {  	[sflag:s0] =	ssyncadd.s32 @!p0 $0xFFFFD800  }
0x20: {  	[tilespmem:s4], [sflag:$0x6] =	stream.strided.gather [hbm4b:s6+s15], $0x2780, s16, s15, $0x38;
	[tilespmem:$0x1F080] =	vst v63  }
0x21: {  	_ =	swait.ge [sflag:s17], $0x2780  }
0x22: {  	[sflag:s17] =	ssyncset.done $0x0  }
0x23: {  	[sflag:s17] =	ssyncadd.s32 $0xFFFFD880  }
0x24: {  	[tilespmem:s18], [sflag:$0x6] =	stream.strided.gather [hbm4b:s7+s15], $0x2780, s16, s15, $0x38;
	[tilespmem:$0x1F080] =	vst v63  }
0x25: {  	_ =	swait.ge [sflag:s17], $0x2780  }
0x26: {  	[sflag:s17] =	ssyncset.done $0x0  }
0x27: {  	[sflag:s17] =	ssyncadd.s32 $0xFFFFD880  }
0x28: {  	[tilespmem:s19], [sflag:$0x5] =	stream.linear.gather [hbm4b:s8+s4], $0x100, $0x38;
	[tilespmem:$0x1F080] =	vst v63  }
0x29: {  	_ =	swait.ge [sflag:s20], $0x100  }
0x2a: {  	[sflag:s20] =	ssyncset.done $0x0  }
0x2b: {  	[sflag:s20] =	ssyncadd.s32 $0xFFFFFF00  }
0x2c: {  	[tilespmem:s22], [sflag:$0x1] =	stream.indirect.gather [hbm4b:s1+s21], $0x80, s4, s21, $0xb8;
	[tilespmem:$0x1F080] =	vst v63  }
0x2d: {  	_ =	swait.ge [sflag:s23], $0x3400  }
0x2e: {  	[sflag:s23] =	ssyncset.done $0x0  }
0x2f: {  	[sflag:s23] =	ssyncadd.s32 $0xFFFFCC00  }
0x30: {  	[spmem:s3] =	stream.indirect.scatter.add.f32 [tilespmem:s22], [sflag:$0x3], $0x80, s18, s21, $0xb8;
	[tilespmem:$0x1F080] =	vst v63  }
0x31: {  	_ = 	snop  }
0x32: {  	[tilespmem:s24], [sflag:$0x2] =	stream.indirect.gather [hbm4b:s1+s21], $0x80, s21, s21, $0xb8;
	[tilespmem:$0x1F080] =	vst v63  }
0x33: {  	_ =	swait.ge [sflag:s25], $0x3400  }
0x34: {  	[sflag:s25] =	ssyncset.done $0x0  }
0x35: {  	s29 =	simm.s32 $0x27E8;
	[sflag:s25] =	ssyncadd.s32 $0xFFFFCC00  }
0x36: {  	[spmem:s3] =	stream.indirect.scatter.add.f32 [tilespmem:s24], [sflag:$0x4], $0x80, s29, s21, $0xb8;
	[tilespmem:$0x1F080] =	vst v63  }
0x37: {  	_ =	swait.ge [sflag:s28], $0x3400  }
0x38: {  	[sflag:s28] =	ssyncset.done $0x0  }
0x39: {  	s2 =	simm.s32 $0xD0;
	[sflag:s28] =	ssyncadd.s32 $0xFFFFCC00  }
0x3a: {  	[tilespmem:s22], [sflag:$0x1] =	stream.indirect.gather [hbm4b:s1+s21], $0x80, s2, s21, $0xb8;
	[tilespmem:$0x1F080] =	vst v63  }
0x3b: {  	_ =	swait.ge [sflag:s23], $0x3400  }
0x3c: {  	[sflag:s23] =	ssyncset.done $0x0  }
0x3d: {  	s29 =	simm.s32 $0x2850;
	[sflag:s23] =	ssyncadd.s32 $0xFFFFCC00  }
0x3e: {  	[spmem:s3] =	stream.indirect.scatter.add.f32 [tilespmem:s22], [sflag:$0x3], $0x80, s29, s21, $0xb8;
	[tilespmem:$0x1F080] =	vst v63  }
0x3f: {  	_ =	swait.ge [sflag:s30], $0x3400  }
0x40: {  	[sflag:s30] =	ssyncset.done $0x0  }
0x41: {  	s2 =	simm.s32 $0x138;
	[sflag:s30] =	ssyncadd.s32 $0xFFFFCC00  }
0x42: {  	[tilespmem:s24], [sflag:$0x2] =	stream.indirect.gather [hbm4b:s1+s21], $0x80, s2, s21, $0xb8;
	[tilespmem:$0x1F080] =	vst v63  }
0x43: {  	_ =	swait.ge [sflag:s25], $0x3400  }
0x44: {  	[sflag:s25] =	ssyncset.done $0x0  }
0x45: {  	s29 =	simm.s32 $0x28B8;
	[sflag:s25] =	ssyncadd.s32 $0xFFFFCC00  }
0x46: {  	[spmem:s3] =	stream.indirect.scatter.add.f32 [tilespmem:s24], [sflag:$0x4], $0x80, s29, s21, $0xb8;
	[tilespmem:$0x1F080] =	vst v63  }
0x47: {  	_ =	swait.ge [sflag:s28], $0x3400  }
0x48: {  	[sflag:s28] =	ssyncset.done $0x0  }
0x49: {  	s0 =	simm.s32 $0x1A0;
	s2 =	simm.s32 $0xFFFF6DC0;
	[sflag:s28] =	ssyncadd.s32 $0xFFFFCC00  }
.LBB2_2:
0x4a: {  	[tilespmem:s22], [sflag:$0x1] =	stream.indirect.gather [hbm4b:s1+s21], $0x80, s0, s21, $0xb8;
	[tilespmem:$0x1F080] =	vst v63  }
0x4b: {  	s0 =	smov.u32 s2  }
0x4c: {  	p1 =	sne.s32 s2, $0xFFFFFCC0;
	s2 =	sadd.s32 $0x340, s2;
	_ =	swait.ge [sflag:s23], $0x3400  }
0x4d: {  	s0 =	sshra.s32 s0, $0x2;
	[sflag:s23] =	ssyncset.done $0x0  }
0x4e: {  	s29 =	sadd.s32 $0x4DB0, s0;
	[sflag:s23] =	ssyncadd.s32 $0xFFFFCC00  }
0x4f: {  	[spmem:s3] =	stream.indirect.scatter.add.f32 [tilespmem:s22], [sflag:$0x3], $0x80, s29, s21, $0xb8;
	[tilespmem:$0x1F080] =	vst v63  }
0x50: {  	_ =	swait.ge [sflag:s30], $0x3400  }
0x51: {  	[sflag:s30] =	ssyncset.done $0x0  }
0x52: {  	s29 =	sadd.s32 $0x2698, s0;
	[sflag:s30] =	ssyncadd.s32 $0xFFFFCC00  }
0x53: {  	[tilespmem:s24], [sflag:$0x2] =	stream.indirect.gather [hbm4b:s1+s21], $0x80, s29, s21, $0xb8;
	[tilespmem:$0x1F080] =	vst v63  }
0x54: {  	_ =	swait.ge [sflag:s25], $0x3400  }
0x55: {  	[sflag:s25] =	ssyncset.done $0x0  }
.Ltmp0:
0x56: {  	s29 =	sadd.s32 $0x4E18, s0;
	[sflag:s25] =	ssyncadd.s32 $0xFFFFCC00;
	(pc) =	sbr.rel @p1 .LBB2_2-.Ltmp0, $4  }
0x57: {  	[spmem:s3] =	stream.indirect.scatter.add.f32 [tilespmem:s24], [sflag:$0x4], $0x80, s29, s21, $0xb8;
	[tilespmem:$0x1F080] =	vst v63  }
0x58: {  	_ =	swait.ge [sflag:s28], $0x3400  }
0x59: {  	[sflag:s28] =	ssyncset.done $0x0  }
0x5a: {  	s0 =	sadd.s32 $0x2700, s0;
	[sflag:s28] =	ssyncadd.s32 $0xFFFFCC00  }
0x5b: {  	[tilespmem:s22], [sflag:$0x1] =	stream.indirect.gather [hbm4b:s1+s21], $0x80, s0, s21, $0xb8;
	[tilespmem:$0x1F080] =	vst v63  }
0x5c: {  	_ =	swait.ge [sflag:s23], $0x3400  }
0x5d: {  	[sflag:s23] =	ssyncset.done $0x0  }
0x5e: {  	s2 =	simm.s32 $0x4DB0;
	[sflag:s23] =	ssyncadd.s32 $0xFFFFCC00  }
0x5f: {  	[spmem:s3] =	stream.indirect.scatter.add.f32 [tilespmem:s22], [sflag:$0x3], $0x80, s2, s21, $0xb8;
	[tilespmem:$0x1F080] =	vst v63  }
0x60: {  	_ =	swait.ge [sflag:s30], $0x3400  }
0x61: {  	[sflag:s30] =	ssyncset.done $0x0  }
0x62: {  	s29 =	simm.s32 $0x2698;
	[sflag:s30] =	ssyncadd.s32 $0xFFFFCC00  }
0x63: {  	[tilespmem:s24], [sflag:$0x2] =	stream.indirect.gather [hbm4b:s1+s21], $0x80, s29, s21, $0xb8;
	[tilespmem:$0x1F080] =	vst v63  }
0x64: {  	_ =	swait.ge [sflag:s25], $0x3400  }
0x65: {  	[sflag:s25] =	ssyncset.done $0x0  }
0x66: {  	s2 =	simm.s32 $0x4E18;
	[sflag:s25] =	ssyncadd.s32 $0xFFFFCC00  }
0x67: {  	[spmem:s3] =	stream.indirect.scatter.add.f32 [tilespmem:s24], [sflag:$0x4], $0x80, s2, s21, $0xb8;
	[tilespmem:$0x1F080] =	vst v63  }
0x68: {  	_ =	swait.ge [sflag:s28], $0x3400  }
0x69: {  	[sflag:s28] =	ssyncset.done $0x0  }
0x6a: {  	[sflag:s28] =	ssyncadd.s32 $0xFFFFCC00  }
0x6b: {  	[tilespmem:s22], [sflag:$0x5] =	stream.indirect.gather [hbm4b:s1+s26], $0x80, s19, s26, $0xb8;
	[tilespmem:$0x1F080] =	vst v63  }
0x6c: {  	_ =	swait.ge [sflag:s20], $0x800  }
0x6d: {  	[sflag:s20] =	ssyncset.done $0x0  }
0x6e: {  	s29 =	simm.s32 $0xB780;
	[sflag:s20] =	ssyncadd.s32 $0xFFFFF800  }
0x6f: {  	[spmem:s3] =	stream.indirect.scatter.add.f32 [tilespmem:s22], [sflag:$0x6], $0x80, s29, s26, $0xb8;
	[tilespmem:$0x1F080] =	vst v63  }
0x70: {  	_ =	swait.ge [sflag:s17], $0x800  }
0x71: {  	[sflag:s17] =	ssyncset.done $0x0  }
0x72: {  	[sflag:s17] =	ssyncadd.s32 $0xFFFFF800  }
0x73: {  	_ =	swait.ge [sflag:s30], $0x3400  }
0x74: {  	[sflag:s30] =	ssyncset.done $0x0  }
0x75: {  	[sflag:s30] =	ssyncadd.s32 $0xFFFFCC00  }
0x76: {  	s0 =	simm.s32 @p0 $0x1FC6;
	[bflag:$0x0] =	sbarrier.arrive $0xFFFF  }
0x77: {  	[hbm:s10], [sflag:s0] =	dma.local @p0 [spmem:s12], $0x1900  }
0x78: {  	s0 =	simm.s32 @p0 $0x6  }
0x79: {  	s31 =	sadd.s32 $0x1, s31;
	_ =	swait.ge @p0 [sflag:s0], $0x1900  }
0x7a: {  	p1 =	sne.s32 s31, s11;
	[sflag:s0] =	ssyncset.done @p0 $0x0  }
.Ltmp1:
0x7b: {  	[sflag:s0] =	ssyncadd.s32 @p0 $0xFFFFE700;
	s0 =	simm.s32 @!p0 $0x6;
	(pc) =	sbr.rel @p1 .LBB2_1-.Ltmp1, $4  }
0x7c: {  	[hbm:s9], [sflag:s13] =	dma.local @!p0 [spmem:s14], $0x2800  }
0x7d: {  	_ =	swait.ge @!p0 [sflag:s0], $0x2800  }
0x7e: {  	[sflag:s0] =	ssyncset.done @!p0 $0x0  }
0x7f: {  	[sflag:s0] =	ssyncadd.s32 @!p0 $0xFFFFD800  }
0x80: {  	_ =	sfence.sel $0x180000  }
0x81: {  	[bflag:$0x0] =	sbarrier.arrive $0xFFFF  }
0x82: {  	_ =	strace $0x90000047  }
0x83: {  	s0 =	stileid.u32;
	[bflag:$0x2] =	sbarrier.arrive $0xFFFF  }
0x84: {  	p0 =	sne.s32 s0, $0x0;
	s0 =	rddreg [dreg:$0x3]  }
0x85: {  	s0 =	sadd.s32 @!p0 $0x100000, s0  }
0x86: {  	[sflag:s0] =	ssyncadd.tile.s32 @!p0 $0x1;
	_ =	shalt  }
.Lfunc_end2:
_tile_overlayer_lowered:
.L_overlay_start_2:
0x87: {  	(tag) =	ssettag $0x2  }
0x88: {  	s0 =	rddreg [dreg:$0x0];
	s2 =	stileid.u32  }
0x89: {  	s1 =	rddreg [dreg:$0x1];
	p0 =	sne.s32 s2, $0x0  }
0x8a: {  	s3 =	rddreg [dreg:$0x2];
	[bflag:$0x3] =	sbarrier.arrive $0xFFFF;
	s2 =	simm.s32 @!p0 $0x1C06  }
0x8b: {  	[timem:s3], [sflag:s2] =	dma.local @!p0 [hbm:s0], s1  }
0x8c: {  	s0 =	simm.s32 @!p0 $0x6  }
0x8d: {  	_ =	swait.ge @!p0 [sflag:s0], s1  }
0x8e: {  	s1 =	ssub.s32 @!p0 $0x0, s1;
	[sflag:s0] =	ssyncset.done @!p0 $0x0  }
0x8f: {  	[sflag:s0] =	ssyncadd.s32 @!p0 s1  }
0x90: {  	[bflag:$0x3] =	sbarrier.arrive $0xFFFF  }
0x91: {  	_ =	shalt  }

</sc_bundles>
